<compile_context>
chip_gen: v7x
topology: tpu7x:2x2x1
jax: 0.10.2.dev20260603
libtpu: 0.0.44.dev20260713+nightly
codegen_flags: <defaults>
</compile_context>

<pallas_src>
import dataclasses
import functools

import jax
import jax.numpy as jnp
from jax import lax
from jax.experimental import pallas as pl
from jax.experimental.pallas import tpu as pltpu
from jax.experimental.pallas import tpu_sc as plsc

N = 320000
D = 128
K = 1000
KP = 1024
NC = 2
NS = 16
NW = NC * NS
CHUNK = N // NW
BLK = 80
NB = 5
NBLK = CHUNK // BLK
NOUT = CHUNK // (BLK * NB)
ZR = KP // NS


def _sc_segment_sums(embeddings, labels):
  mesh = plsc.VectorSubcoreMesh(core_axis_name="c", subcore_axis_name="s")
  cparams = dataclasses.replace(pltpu.CompilerParams(),
                                needs_layout_passes=False)

  @functools.partial(
      pl.kernel,
      out_type=[
          jax.ShapeDtypeStruct((NC, KP, D), jnp.float32),
          jax.ShapeDtypeStruct((NC, KP), jnp.float32),
      ],
      mesh=mesh,
      compiler_params=cparams,
      scratch_types=(
          [
              pltpu.VMEM((NB, BLK, D), jnp.float32),
              pltpu.VMEM((CHUNK,), jnp.int32),
              pltpu.VMEM((KP,), jnp.float32),
              pltpu.VMEM((ZR, D), jnp.float32),
              pltpu.VMEM((NS, ZR), jnp.float32),
              pltpu.VMEM((ZR,), jnp.float32),
              pltpu.VMEM_SHARED((KP, D), jnp.float32),
              pltpu.VMEM_SHARED((NS, KP), jnp.float32),
          ]
          + [pltpu.SemaphoreType.DMA] * (2 * NB + 1)
      ),
  )
  def kern(emb_hbm, lab_hbm, sums_hbm, cnts_hbm, rows_v, lab_v, cnt_v,
           zrow_v, red_v, cout_v, ssums, scnt_s, *sems):
    lsem = sems[:NB]
    ssem = sems[NB:2 * NB]
    labsem = sems[2 * NB]
    ci = lax.axis_index("c")
    si = lax.axis_index("s")
    wid = ci * NS + si
    base = wid * CHUNK

    pltpu.async_copy(lab_hbm.at[pl.ds(base, CHUNK)], lab_v, labsem)

    for b in range(NB):
      st = base + b * BLK
      pltpu.async_copy(emb_hbm.at[pl.ds(st, BLK)], rows_v.at[b], lsem[b])

    zero16 = jnp.zeros((16,), jnp.float32)
    one16 = jnp.full((16,), 1.0, jnp.float32)

    @pl.loop(0, ZR)
    def _(r):
      @pl.loop(0, D, step=16)
      def _(cc):
        zrow_v[r, pl.ds(cc, 16)] = zero16

    @pl.loop(0, KP, step=16)
    def _(r):
      cnt_v[pl.ds(r, 16)] = zero16

    pltpu.sync_copy(zrow_v, ssums.at[pl.ds(si * ZR, ZR)])
    plsc.subcore_barrier()

    pltpu.make_async_copy(lab_hbm.at[pl.ds(base, CHUNK)], lab_v,
                          labsem).wait()

    @pl.loop(0, NOUT)
    def _(o):
      for b in range(NB):
        off = (o * NB + b) * BLK
        pltpu.make_async_copy(emb_hbm.at[pl.ds(base + off, BLK)],
                              rows_v.at[b], lsem[b]).wait()
        pltpu.async_copy(rows_v.at[b], ssums.at[lab_v.at[pl.ds(off, BLK)]],
                         ssem[b], add=True)
        for g in range(BLK // 16):
          idx = lab_v[pl.ds(off + g * 16, 16)]
          plsc.addupdate_scatter(cnt_v, [idx], one16)

      @pl.when(o < NOUT - 1)
      def _():
        for b in range(NB):
          off = (o * NB + b) * BLK
          nxt = base + ((o + 1) * NB + b) * BLK
          pltpu.make_async_copy(rows_v.at[b],
                                ssums.at[lab_v.at[pl.ds(off, BLK)]],
                                ssem[b]).wait()
          pltpu.async_copy(emb_hbm.at[pl.ds(nxt, BLK)], rows_v.at[b],
                           lsem[b])

    for b in range(NB):
      off = ((NOUT - 1) * NB + b) * BLK
      pltpu.make_async_copy(rows_v.at[b],
                            ssums.at[lab_v.at[pl.ds(off, BLK)]],
                            ssem[b]).wait()

    pltpu.sync_copy(cnt_v, scnt_s.at[si])
    plsc.subcore_barrier()
    for r in range(NS):
      pltpu.sync_copy(scnt_s.at[r, pl.ds(si * ZR, ZR)], red_v.at[r])
    for c in range(0, ZR, 16):
      acc = zero16
      for r in range(NS):
        acc = acc + red_v[r, pl.ds(c, 16)]
      cout_v[pl.ds(c, 16)] = acc
    pltpu.sync_copy(cout_v, cnts_hbm.at[ci, pl.ds(si * ZR, ZR)])

    pltpu.sync_copy(ssums.at[pl.ds(si * ZR, ZR)],
                    sums_hbm.at[ci, pl.ds(si * ZR, ZR)])

  return kern(embeddings, labels)


def _tc_finalize(psums, pcnts):

  def body(s_ref, c_ref, o_ref):
    s = s_ref[0] + s_ref[1]
    cnt = c_ref[0] + c_ref[1]
    pm = (cnt > 0.0).astype(jnp.float32)
    npres = jnp.sum(pm)
    means = s / jnp.maximum(cnt, 1.0)
    overall = jnp.sum(means * pm, axis=0, keepdims=True) / npres
    diff = (means - overall) * pm
    var = jnp.sum(diff * diff, axis=0, keepdims=True) / (npres - 1.0)
    o_ref[...] = jnp.broadcast_to(-jnp.mean(var), (1, 1))

  return pl.pallas_call(
      body,
      out_shape=jax.ShapeDtypeStruct((1, 1), jnp.float32),
  )(psums, pcnts)


def kernel(embeddings, labels):
  labels = labels.astype(jnp.int32)
  psums, pcnts = _sc_segment_sums(embeddings, labels)
  return _tc_finalize(psums, pcnts.reshape(NC, KP, 1))[0, 0]

# --- scband reference (transcript-rebuilt; emitter-appended) ---
"""Pipeline reference for scband-diversity-loss-88776974008411 (READ-ONLY COPY).

The authoritative reference and input builder live on the scoring server;
editing this copy changes nothing except your own understanding.
"""

import jax, jax.numpy as jnp
import numpy as np

N = 320000
D = 128
K = 1000  # number of classes (fill_max for labels)


def setup_inputs(seed: int = 0) -> dict:
    key = jax.random.key(seed)
    k1, k2 = jax.random.split(key)
    embeddings = jax.random.normal(k1, (N, D), dtype=jnp.float32)
    labels = jnp.sort(jax.random.randint(k2, (N,), 0, K, dtype=jnp.int64))
    return {"embeddings": embeddings, "labels": labels}


def reference(embeddings, labels):
    # Faithful translation of DiversityLoss.forward (mask=None path).
    # torch.unique + per-class mean loop == segment mean over present classes.
    counts = jax.ops.segment_sum(jnp.ones(labels.shape, dtype=jnp.float32), labels, num_segments=K)
    sums = jax.ops.segment_sum(embeddings, labels, num_segments=K)
    present = counts > 0
    pm = present.astype(jnp.float32)[:, None]
    means = sums / jnp.maximum(counts, 1.0)[:, None]  # class means (zeros stay zero for absent classes)
    n_present = jnp.sum(present.astype(jnp.float32))
    # variance over present class means, unbiased (torch .var default ddof=1), per-dim then mean
    overall = jnp.sum(means * pm, axis=0) / n_present
    diff = (means - overall[None, :]) * pm
    variance = jnp.sum(diff * diff, axis=0) / (n_present - 1.0)
    return -jnp.mean(variance)

if __name__ == "__main__":
    import jax
    _d = setup_inputs()
    print(jax.jit(kernel)(*tuple(_d.values())))

</pallas_src>

<mosaic_0001>
#map = affine_map<(d0, d1) -> (0, 0)>
#map1 = affine_map<(d0, d1) -> (0)>
#map2 = affine_map<(d0, d1) -> (0, 0, 0)>
module attributes {stable_mosaic.version = 14 : i64} {
  func.func @kern(%arg0: i32, %arg1: i32, %arg2: memref<320000x128xf32, #tpu.memory_space<hbm>>, %arg3: memref<320000xi32, #tpu.memory_space<hbm>>, %arg4: memref<2x1024x128xf32, #tpu.memory_space<hbm>>, %arg5: memref<2x1024xf32, #tpu.memory_space<hbm>>, %arg6: memref<5x80x128xf32, #tpu.memory_space<vmem>>, %arg7: memref<10000xi32, #tpu.memory_space<vmem>>, %arg8: memref<1024xf32, #tpu.memory_space<vmem>>, %arg9: memref<64x128xf32, #tpu.memory_space<vmem>>, %arg10: memref<16x64xf32, #tpu.memory_space<vmem>>, %arg11: memref<64xf32, #tpu.memory_space<vmem>>, %arg12: memref<1024x128xf32, #tpu.memory_space<vmem_shared>>, %arg13: memref<16x1024xf32, #tpu.memory_space<vmem_shared>>, %arg14: memref<!tpu.dma_semaphore, #tpu.memory_space<semaphore_mem>>, %arg15: memref<!tpu.dma_semaphore, #tpu.memory_space<semaphore_mem>>, %arg16: memref<!tpu.dma_semaphore, #tpu.memory_space<semaphore_mem>>, %arg17: memref<!tpu.dma_semaphore, #tpu.memory_space<semaphore_mem>>, %arg18: memref<!tpu.dma_semaphore, #tpu.memory_space<semaphore_mem>>, %arg19: memref<!tpu.dma_semaphore, #tpu.memory_space<semaphore_mem>>, %arg20: memref<!tpu.dma_semaphore, #tpu.memory_space<semaphore_mem>>, %arg21: memref<!tpu.dma_semaphore, #tpu.memory_space<semaphore_mem>>, %arg22: memref<!tpu.dma_semaphore, #tpu.memory_space<semaphore_mem>>, %arg23: memref<!tpu.dma_semaphore, #tpu.memory_space<semaphore_mem>>, %arg24: memref<!tpu.dma_semaphore, #tpu.memory_space<semaphore_mem>>) attributes {dimension_semantics = [#tpu.dimension_semantics<core_parallel>, #tpu.dimension_semantics<subcore_parallel>], iteration_bounds = array<i64: 2, 16>, scalar_prefetch = 0 : i64, scratch_operands = 19 : i64, tpu.core_type = #tpu.core_type<sc_vector_subcore>, window_params = [{transform_indices = #map}, {transform_indices = #map1}, {transform_indices = #map2}, {transform_indices = #map}]} {
    %mul3A = arith.constant 16 : i32
    %mul3A_0 = arith.muli %arg0, %mul3A : i32
    %add3A = arith.addi %mul3A_0, %arg1 : i32
    %mul3A_1 = arith.constant 10000 : i32
    %mul3A_2 = arith.muli %add3A, %mul3A_1 : i32
    %dma_start3A = tpu.memref_slice %arg3[%mul3A_2] : memref<320000xi32, #tpu.memory_space<hbm>> -> memref<10000xi32, #tpu.memory_space<hbm>>
    %dma_start3A_3 = tpu.memref_slice %arg3[%mul3A_2] : memref<320000xi32, #tpu.memory_space<hbm>> -> memref<10000xi32, #tpu.memory_space<hbm>>
    tpu.enqueue_dma source(%dma_start3A_3 : memref<10000xi32, #tpu.memory_space<hbm>>) target(%arg7 : memref<10000xi32, #tpu.memory_space<vmem>>) target_semaphore(%arg24 : memref<!tpu.dma_semaphore, #tpu.memory_space<semaphore_mem>>)
    %add3A_4 = arith.constant 0 : i32
    %add3A_5 = arith.addi %mul3A_2, %add3A_4 : i32
    %dma_start3A_6 = arith.constant 0 : i32
    %dma_start3A_7 = arith.constant 0 : i32
    %dma_start3A_8 = arith.constant 0 : i32
    %dma_start3A_9 = tpu.memref_slice %arg6[%dma_start3A_6, %dma_start3A_7, %dma_start3A_8] : memref<5x80x128xf32, #tpu.memory_space<vmem>> -> memref<1x80x128xf32, #tpu.memory_space<vmem>>
    %dma_start3A_10 = tpu.memref_squeeze %dma_start3A_9 : memref<1x80x128xf32, #tpu.memory_space<vmem>> -> memref<80x128xf32, #tpu.memory_space<vmem>>
    %dma_start3A_11 = arith.constant 0 : i32
    %dma_start3A_12 = tpu.memref_slice %arg2[%add3A_5, %dma_start3A_11] : memref<320000x128xf32, #tpu.memory_space<hbm>> -> memref<80x128xf32, #tpu.memory_space<hbm>>
    %dma_start3A_13 = arith.constant 0 : i32
    %dma_start3A_14 = arith.constant 0 : i32
    %dma_start3A_15 = tpu.memref_slice %arg6[%dma_start3A_6, %dma_start3A_13, %dma_start3A_14] : memref<5x80x128xf32, #tpu.memory_space<vmem>> -> memref<1x80x128xf32, #tpu.memory_space<vmem>>
    %dma_start3A_16 = tpu.memref_squeeze %dma_start3A_15 : memref<1x80x128xf32, #tpu.memory_space<vmem>> -> memref<80x128xf32, #tpu.memory_space<vmem>>
    %dma_start3A_17 = arith.constant 0 : i32
    %dma_start3A_18 = tpu.memref_slice %arg2[%add3A_5, %dma_start3A_17] : memref<320000x128xf32, #tpu.memory_space<hbm>> -> memref<80x128xf32, #tpu.memory_space<hbm>>
    tpu.enqueue_dma source(%dma_start3A_18 : memref<80x128xf32, #tpu.memory_space<hbm>>) target(%dma_start3A_16 : memref<80x128xf32, #tpu.memory_space<vmem>>) target_semaphore(%arg14 : memref<!tpu.dma_semaphore, #tpu.memory_space<semaphore_mem>>)
    %add3A_19 = arith.constant 80 : i32
    %add3A_20 = arith.addi %mul3A_2, %add3A_19 : i32
    %dma_start3A_21 = arith.constant 1 : i32
    %dma_start3A_22 = arith.constant 0 : i32
    %dma_start3A_23 = arith.constant 0 : i32
    %dma_start3A_24 = tpu.memref_slice %arg6[%dma_start3A_21, %dma_start3A_22, %dma_start3A_23] : memref<5x80x128xf32, #tpu.memory_space<vmem>> -> memref<1x80x128xf32, #tpu.memory_space<vmem>>
    %dma_start3A_25 = tpu.memref_squeeze %dma_start3A_24 : memref<1x80x128xf32, #tpu.memory_space<vmem>> -> memref<80x128xf32, #tpu.memory_space<vmem>>
    %dma_start3A_26 = arith.constant 0 : i32
    %dma_start3A_27 = tpu.memref_slice %arg2[%add3A_20, %dma_start3A_26] : memref<320000x128xf32, #tpu.memory_space<hbm>> -> memref<80x128xf32, #tpu.memory_space<hbm>>
    %dma_start3A_28 = arith.constant 0 : i32
    %dma_start3A_29 = arith.constant 0 : i32
    %dma_start3A_30 = tpu.memref_slice %arg6[%dma_start3A_21, %dma_start3A_28, %dma_start3A_29] : memref<5x80x128xf32, #tpu.memory_space<vmem>> -> memref<1x80x128xf32, #tpu.memory_space<vmem>>
    %dma_start3A_31 = tpu.memref_squeeze %dma_start3A_30 : memref<1x80x128xf32, #tpu.memory_space<vmem>> -> memref<80x128xf32, #tpu.memory_space<vmem>>
    %dma_start3A_32 = arith.constant 0 : i32
    %dma_start3A_33 = tpu.memref_slice %arg2[%add3A_20, %dma_start3A_32] : memref<320000x128xf32, #tpu.memory_space<hbm>> -> memref<80x128xf32, #tpu.memory_space<hbm>>
    tpu.enqueue_dma source(%dma_start3A_33 : memref<80x128xf32, #tpu.memory_space<hbm>>) target(%dma_start3A_31 : memref<80x128xf32, #tpu.memory_space<vmem>>) target_semaphore(%arg15 : memref<!tpu.dma_semaphore, #tpu.memory_space<semaphore_mem>>)
    %add3A_34 = arith.constant 160 : i32
    %add3A_35 = arith.addi %mul3A_2, %add3A_34 : i32
    %dma_start3A_36 = arith.constant 2 : i32
    %dma_start3A_37 = arith.constant 0 : i32
    %dma_start3A_38 = arith.constant 0 : i32
    %dma_start3A_39 = tpu.memref_slice %arg6[%dma_start3A_36, %dma_start3A_37, %dma_start3A_38] : memref<5x80x128xf32, #tpu.memory_space<vmem>> -> memref<1x80x128xf32, #tpu.memory_space<vmem>>
    %dma_start3A_40 = tpu.memref_squeeze %dma_start3A_39 : memref<1x80x128xf32, #tpu.memory_space<vmem>> -> memref<80x128xf32, #tpu.memory_space<vmem>>
    %dma_start3A_41 = arith.constant 0 : i32
    %dma_start3A_42 = tpu.memref_slice %arg2[%add3A_35, %dma_start3A_41] : memref<320000x128xf32, #tpu.memory_space<hbm>> -> memref<80x128xf32, #tpu.memory_space<hbm>>
    %dma_start3A_43 = arith.constant 0 : i32
    %dma_start3A_44 = arith.constant 0 : i32
    %dma_start3A_45 = tpu.memref_slice %arg6[%dma_start3A_36, %dma_start3A_43, %dma_start3A_44] : memref<5x80x128xf32, #tpu.memory_space<vmem>> -> memref<1x80x128xf32, #tpu.memory_space<vmem>>
    %dma_start3A_46 = tpu.memref_squeeze %dma_start3A_45 : memref<1x80x128xf32, #tpu.memory_space<vmem>> -> memref<80x128xf32, #tpu.memory_space<vmem>>
    %dma_start3A_47 = arith.constant 0 : i32
    %dma_start3A_48 = tpu.memref_slice %arg2[%add3A_35, %dma_start3A_47] : memref<320000x128xf32, #tpu.memory_space<hbm>> -> memref<80x128xf32, #tpu.memory_space<hbm>>
    tpu.enqueue_dma source(%dma_start3A_48 : memref<80x128xf32, #tpu.memory_space<hbm>>) target(%dma_start3A_46 : memref<80x128xf32, #tpu.memory_space<vmem>>) target_semaphore(%arg16 : memref<!tpu.dma_semaphore, #tpu.memory_space<semaphore_mem>>)
    %add3A_49 = arith.constant 240 : i32
    %add3A_50 = arith.addi %mul3A_2, %add3A_49 : i32
    %dma_start3A_51 = arith.constant 3 : i32
    %dma_start3A_52 = arith.constant 0 : i32
    %dma_start3A_53 = arith.constant 0 : i32
    %dma_start3A_54 = tpu.memref_slice %arg6[%dma_start3A_51, %dma_start3A_52, %dma_start3A_53] : memref<5x80x128xf32, #tpu.memory_space<vmem>> -> memref<1x80x128xf32, #tpu.memory_space<vmem>>
    %dma_start3A_55 = tpu.memref_squeeze %dma_start3A_54 : memref<1x80x128xf32, #tpu.memory_space<vmem>> -> memref<80x128xf32, #tpu.memory_space<vmem>>
    %dma_start3A_56 = arith.constant 0 : i32
    %dma_start3A_57 = tpu.memref_slice %arg2[%add3A_50, %dma_start3A_56] : memref<320000x128xf32, #tpu.memory_space<hbm>> -> memref<80x128xf32, #tpu.memory_space<hbm>>
    %dma_start3A_58 = arith.constant 0 : i32
    %dma_start3A_59 = arith.constant 0 : i32
    %dma_start3A_60 = tpu.memref_slice %arg6[%dma_start3A_51, %dma_start3A_58, %dma_start3A_59] : memref<5x80x128xf32, #tpu.memory_space<vmem>> -> memref<1x80x128xf32, #tpu.memory_space<vmem>>
    %dma_start3A_61 = tpu.memref_squeeze %dma_start3A_60 : memref<1x80x128xf32, #tpu.memory_space<vmem>> -> memref<80x128xf32, #tpu.memory_space<vmem>>
    %dma_start3A_62 = arith.constant 0 : i32
    %dma_start3A_63 = tpu.memref_slice %arg2[%add3A_50, %dma_start3A_62] : memref<320000x128xf32, #tpu.memory_space<hbm>> -> memref<80x128xf32, #tpu.memory_space<hbm>>
    tpu.enqueue_dma source(%dma_start3A_63 : memref<80x128xf32, #tpu.memory_space<hbm>>) target(%dma_start3A_61 : memref<80x128xf32, #tpu.memory_space<vmem>>) target_semaphore(%arg17 : memref<!tpu.dma_semaphore, #tpu.memory_space<semaphore_mem>>)
    %add3A_64 = arith.constant 320 : i32
    %add3A_65 = arith.addi %mul3A_2, %add3A_64 : i32
    %dma_start3A_66 = arith.constant 4 : i32
    %dma_start3A_67 = arith.constant 0 : i32
    %dma_start3A_68 = arith.constant 0 : i32
    %dma_start3A_69 = tpu.memref_slice %arg6[%dma_start3A_66, %dma_start3A_67, %dma_start3A_68] : memref<5x80x128xf32, #tpu.memory_space<vmem>> -> memref<1x80x128xf32, #tpu.memory_space<vmem>>
    %dma_start3A_70 = tpu.memref_squeeze %dma_start3A_69 : memref<1x80x128xf32, #tpu.memory_space<vmem>> -> memref<80x128xf32, #tpu.memory_space<vmem>>
    %dma_start3A_71 = arith.constant 0 : i32
    %dma_start3A_72 = tpu.memref_slice %arg2[%add3A_65, %dma_start3A_71] : memref<320000x128xf32, #tpu.memory_space<hbm>> -> memref<80x128xf32, #tpu.memory_space<hbm>>
    %dma_start3A_73 = arith.constant 0 : i32
    %dma_start3A_74 = arith.constant 0 : i32
    %dma_start3A_75 = tpu.memref_slice %arg6[%dma_start3A_66, %dma_start3A_73, %dma_start3A_74] : memref<5x80x128xf32, #tpu.memory_space<vmem>> -> memref<1x80x128xf32, #tpu.memory_space<vmem>>
    %dma_start3A_76 = tpu.memref_squeeze %dma_start3A_75 : memref<1x80x128xf32, #tpu.memory_space<vmem>> -> memref<80x128xf32, #tpu.memory_space<vmem>>
    %dma_start3A_77 = arith.constant 0 : i32
    %dma_start3A_78 = tpu.memref_slice %arg2[%add3A_65, %dma_start3A_77] : memref<320000x128xf32, #tpu.memory_space<hbm>> -> memref<80x128xf32, #tpu.memory_space<hbm>>
    tpu.enqueue_dma source(%dma_start3A_78 : memref<80x128xf32, #tpu.memory_space<hbm>>) target(%dma_start3A_76 : memref<80x128xf32, #tpu.memory_space<vmem>>) target_semaphore(%arg18 : memref<!tpu.dma_semaphore, #tpu.memory_space<semaphore_mem>>)
    %broadcast_in_dim3A = arith.constant 0.000000e+00 : f32
    %broadcast_in_dim3A_79 = vector.broadcast %broadcast_in_dim3A : f32 to vector<16xf32>
    %broadcast_in_dim3A_80 = arith.constant 1.000000e+00 : f32
    %broadcast_in_dim3A_81 = vector.broadcast %broadcast_in_dim3A_80 : f32 to vector<16xf32>
    %scan3A = arith.constant 0 : i32
    %scan3A_82 = arith.constant 64 : i32
    %scan3A_83 = arith.addi %scan3A, %scan3A_82 : i32
    %scan3A_84 = arith.constant 1 : i32
    scf.for %scan3A_545 = %scan3A to %scan3A_83 step %scan3A_84  : i32 {
      %mul3A_546 = arith.constant 1 : i32
      %mul3A_547 = arith.muli %scan3A_545, %mul3A_546 : i32
      %add3A_548 = arith.constant 0 : i32
      %add3A_549 = arith.addi %add3A_548, %mul3A_547 : i32
      %scan3A_550 = arith.constant 0 : i32
      %scan3A_551 = arith.constant 8 : i32
      %scan3A_552 = arith.addi %scan3A_550, %scan3A_551 : i32
      %scan3A_553 = arith.constant 1 : i32
      scf.for %scan3A_555 = %scan3A_550 to %scan3A_552 step %scan3A_553  : i32 {
        %mul3A_556 = arith.constant 16 : i32
        %mul3A_557 = arith.muli %scan3A_555, %mul3A_556 : i32
        %add3A_558 = arith.constant 0 : i32
        %add3A_559 = arith.addi %add3A_558, %mul3A_557 : i32
        %swap3A_560 = arith.index_cast %add3A_549 : i32 to index
        %swap3A_561 = arith.index_cast %add3A_559 : i32 to index
        %swap3A_562 = tpu.vector_load %arg9[%swap3A_560, %swap3A_561] {strides = array<i32>} : memref<64x128xf32, #tpu.memory_space<vmem>>, vector<16xf32>,
        tpu.vector_store %arg9[%swap3A_560, %swap3A_561], %broadcast_in_dim3A_79 {strides = array<i32>} : memref<64x128xf32, #tpu.memory_space<vmem>>, vector<16xf32>,
      }
      %scan3A_554 = arith.constant 8 : i32
    }
    %scan3A_85 = arith.constant 64 : i32
    %scan3A_86 = arith.constant 0 : i32
    %scan3A_87 = arith.constant 64 : i32
    %scan3A_88 = arith.addi %scan3A_86, %scan3A_87 : i32
    %scan3A_89 = arith.constant 1 : i32
    scf.for %scan3A_545 = %scan3A_86 to %scan3A_88 step %scan3A_89  : i32 {
      %mul3A_546 = arith.constant 16 : i32
      %mul3A_547 = arith.muli %scan3A_545, %mul3A_546 : i32
      %add3A_548 = arith.constant 0 : i32
      %add3A_549 = arith.addi %add3A_548, %mul3A_547 : i32
      %swap3A_550 = arith.index_cast %add3A_549 : i32 to index
      %swap3A_551 = tpu.vector_load %arg8[%swap3A_550] {strides = array<i32>} : memref<1024xf32, #tpu.memory_space<vmem>>, vector<16xf32>,
      tpu.vector_store %arg8[%swap3A_550], %broadcast_in_dim3A_79 {strides = array<i32>} : memref<1024xf32, #tpu.memory_space<vmem>>, vector<16xf32>,
    }
    %scan3A_90 = arith.constant 64 : i32
    %mul3A_91 = arith.constant 64 : i32
    %mul3A_92 = arith.muli %arg1, %mul3A_91 : i32
    "tpu.region"() ({
      %run_scoped3A_545 = tpu.sem_alloc : memref<!tpu.dma_semaphore, #tpu.memory_space<semaphore_mem>>
      %dma_start3A_546 = arith.constant 0 : i32
      %dma_start3A_547 = tpu.memref_slice %arg12[%mul3A_92, %dma_start3A_546] : memref<1024x128xf32, #tpu.memory_space<vmem_shared>> -> memref<64x128xf32, #tpu.memory_space<vmem_shared>>
      %dma_start3A_548 = arith.constant 0 : i32
      %dma_start3A_549 = tpu.memref_slice %arg12[%mul3A_92, %dma_start3A_548] : memref<1024x128xf32, #tpu.memory_space<vmem_shared>> -> memref<64x128xf32, #tpu.memory_space<vmem_shared>>
      tpu.enqueue_dma source(%arg9 : memref<64x128xf32, #tpu.memory_space<vmem>>) target(%dma_start3A_549 : memref<64x128xf32, #tpu.memory_space<vmem_shared>>) target_semaphore(%run_scoped3A_545 : memref<!tpu.dma_semaphore, #tpu.memory_space<semaphore_mem>>)
      %dma_wait3A_550 = arith.constant 0 : i32
      %dma_wait3A_551 = tpu.memref_slice %arg12[%mul3A_92, %dma_wait3A_550] : memref<1024x128xf32, #tpu.memory_space<vmem_shared>> -> memref<64x128xf32, #tpu.memory_space<vmem_shared>>
      %dma_wait3A_552 = arith.constant 0 : i32
      %dma_wait3A_553 = tpu.memref_slice %arg12[%mul3A_92, %dma_wait3A_552] : memref<1024x128xf32, #tpu.memory_space<vmem_shared>> -> memref<64x128xf32, #tpu.memory_space<vmem_shared>>
      tpu.wait_dma2 semaphore(%run_scoped3A_545 : memref<!tpu.dma_semaphore, #tpu.memory_space<semaphore_mem>>) src(%arg9 : memref<64x128xf32, #tpu.memory_space<vmem>>) dst(%dma_wait3A_553 : memref<64x128xf32, #tpu.memory_space<vmem_shared>>)
      tpu.yield
    }) : () -> ()
    %barrier3A = arith.constant 0 : index
    tpu.barrier barrier_id(%barrier3A)
    %dma_wait3A = tpu.memref_slice %arg3[%mul3A_2] : memref<320000xi32, #tpu.memory_space<hbm>> -> memref<10000xi32, #tpu.memory_space<hbm>>
    %dma_wait3A_93 = tpu.memref_slice %arg3[%mul3A_2] : memref<320000xi32, #tpu.memory_space<hbm>> -> memref<10000xi32, #tpu.memory_space<hbm>>
    tpu.wait_dma2 semaphore(%arg24 : memref<!tpu.dma_semaphore, #tpu.memory_space<semaphore_mem>>) src(%dma_wait3A_93 : memref<10000xi32, #tpu.memory_space<hbm>>) dst(%arg7 : memref<10000xi32, #tpu.memory_space<vmem>>)
    %scan3A_94 = arith.constant 0 : i32
    %scan3A_95 = arith.constant 25 : i32
    %scan3A_96 = arith.addi %scan3A_94, %scan3A_95 : i32
    %scan3A_97 = arith.constant 1 : i32
    scf.for %scan3A_545 = %scan3A_94 to %scan3A_96 step %scan3A_97  : i32 {
      %mul3A_546 = arith.constant 1 : i32
      %mul3A_547 = arith.muli %scan3A_545, %mul3A_546 : i32
      %add3A_548 = arith.constant 0 : i32
      %add3A_549 = arith.addi %add3A_548, %mul3A_547 : i32
      %mul3A_550 = arith.constant 5 : i32
      %mul3A_551 = arith.muli %add3A_549, %mul3A_550 : i32
      %add3A_552 = arith.constant 0 : i32
      %add3A_553 = arith.addi %mul3A_551, %add3A_552 : i32
      %mul3A_554 = arith.constant 80 : i32
      %mul3A_555 = arith.muli %add3A_553, %mul3A_554 : i32
      %add3A_556 = arith.addi %mul3A_2, %mul3A_555 : i32
      %dma_wait3A_557 = arith.constant 0 : i32
      %dma_wait3A_558 = arith.constant 0 : i32
      %dma_wait3A_559 = arith.constant 0 : i32
      %dma_wait3A_560 = tpu.memref_slice %arg6[%dma_wait3A_557, %dma_wait3A_558, %dma_wait3A_559] : memref<5x80x128xf32, #tpu.memory_space<vmem>> -> memref<1x80x128xf32, #tpu.memory_space<vmem>>
      %dma_wait3A_561 = tpu.memref_squeeze %dma_wait3A_560 : memref<1x80x128xf32, #tpu.memory_space<vmem>> -> memref<80x128xf32, #tpu.memory_space<vmem>>
      %dma_wait3A_562 = arith.constant 0 : i32
      %dma_wait3A_563 = tpu.memref_slice %arg2[%add3A_556, %dma_wait3A_562] : memref<320000x128xf32, #tpu.memory_space<hbm>> -> memref<80x128xf32, #tpu.memory_space<hbm>>
      %dma_wait3A_564 = arith.constant 0 : i32
      %dma_wait3A_565 = arith.constant 0 : i32
      %dma_wait3A_566 = tpu.memref_slice %arg6[%dma_wait3A_557, %dma_wait3A_564, %dma_wait3A_565] : memref<5x80x128xf32, #tpu.memory_space<vmem>> -> memref<1x80x128xf32, #tpu.memory_space<vmem>>
      %dma_wait3A_567 = tpu.memref_squeeze %dma_wait3A_566 : memref<1x80x128xf32, #tpu.memory_space<vmem>> -> memref<80x128xf32, #tpu.memory_space<vmem>>
      %dma_wait3A_568 = arith.constant 0 : i32
      %dma_wait3A_569 = tpu.memref_slice %arg2[%add3A_556, %dma_wait3A_568] : memref<320000x128xf32, #tpu.memory_space<hbm>> -> memref<80x128xf32, #tpu.memory_space<hbm>>
      tpu.wait_dma2 semaphore(%arg14 : memref<!tpu.dma_semaphore, #tpu.memory_space<semaphore_mem>>) src(%dma_wait3A_569 : memref<80x128xf32, #tpu.memory_space<hbm>>) dst(%dma_wait3A_567 : memref<80x128xf32, #tpu.memory_space<vmem>>)
      %dma_start3A_570 = arith.constant 0 : i32
      %dma_start3A_571 = arith.constant 0 : i32
      %dma_start3A_572 = arith.constant 0 : i32
      %dma_start3A_573 = tpu.memref_slice %arg6[%dma_start3A_570, %dma_start3A_571, %dma_start3A_572] : memref<5x80x128xf32, #tpu.memory_space<vmem>> -> memref<1x80x128xf32, #tpu.memory_space<vmem>>
      %dma_start3A_574 = tpu.memref_squeeze %dma_start3A_573 : memref<1x80x128xf32, #tpu.memory_space<vmem>> -> memref<80x128xf32, #tpu.memory_space<vmem>>
      %dma_start3A_575 = tpu.memref_slice %arg7[%mul3A_555] : memref<10000xi32, #tpu.memory_space<vmem>> -> memref<80xi32, #tpu.memory_space<vmem>>
      %dma_start3A_576 = arith.constant 0 : i32
      %dma_start3A_577 = arith.constant 0 : i32
      %dma_start3A_578 = tpu.memref_slice %arg12[%dma_start3A_576, %dma_start3A_577] : memref<1024x128xf32, #tpu.memory_space<vmem_shared>> -> memref<1024x128xf32, #tpu.memory_space<vmem_shared>>
      tpu.enqueue_indirect_dma source(%dma_start3A_574 : memref<80x128xf32, #tpu.memory_space<vmem>>) target(%dma_start3A_578 : memref<1024x128xf32, #tpu.memory_space<vmem_shared>>) offsets(%dma_start3A_575 : memref<80xi32, #tpu.memory_space<vmem>>) semaphore(%arg19 : memref<!tpu.dma_semaphore, #tpu.memory_space<semaphore_mem>>) {add = true}
      %add3A_579 = arith.constant 0 : i32
      %add3A_580 = arith.addi %mul3A_555, %add3A_579 : i32
      %get3A_581 = arith.index_cast %add3A_580 : i32 to index
      %get3A_582 = tpu.vector_load %arg7[%get3A_581] {strides = array<i32>} : memref<10000xi32, #tpu.memory_space<vmem>>, vector<16xi32>,
      tpu.vector_store_idx %arg8[%get3A_582], %broadcast_in_dim3A_81 {add = true} : memref<1024xf32, #tpu.memory_space<vmem>>[vector<16xi32>], vector<16xf32>,
      %add3A_583 = arith.constant 16 : i32
      %add3A_584 = arith.addi %mul3A_555, %add3A_583 : i32
      %get3A_585 = arith.index_cast %add3A_584 : i32 to index
      %get3A_586 = tpu.vector_load %arg7[%get3A_585] {strides = array<i32>} : memref<10000xi32, #tpu.memory_space<vmem>>, vector<16xi32>,
      tpu.vector_store_idx %arg8[%get3A_586], %broadcast_in_dim3A_81 {add = true} : memref<1024xf32, #tpu.memory_space<vmem>>[vector<16xi32>], vector<16xf32>,
      %add3A_587 = arith.constant 32 : i32
      %add3A_588 = arith.addi %mul3A_555, %add3A_587 : i32
      %get3A_589 = arith.index_cast %add3A_588 : i32 to index
      %get3A_590 = tpu.vector_load %arg7[%get3A_589] {strides = array<i32>} : memref<10000xi32, #tpu.memory_space<vmem>>, vector<16xi32>,
      tpu.vector_store_idx %arg8[%get3A_590], %broadcast_in_dim3A_81 {add = true} : memref<1024xf32, #tpu.memory_space<vmem>>[vector<16xi32>], vector<16xf32>,
      %add3A_591 = arith.constant 48 : i32
      %add3A_592 = arith.addi %mul3A_555, %add3A_591 : i32
      %get3A_593 = arith.index_cast %add3A_592 : i32 to index
      %get3A_594 = tpu.vector_load %arg7[%get3A_593] {strides = array<i32>} : memref<10000xi32, #tpu.memory_space<vmem>>, vector<16xi32>,
      tpu.vector_store_idx %arg8[%get3A_594], %broadcast_in_dim3A_81 {add = true} : memref<1024xf32, #tpu.memory_space<vmem>>[vector<16xi32>], vector<16xf32>,
      %add3A_595 = arith.constant 64 : i32
      %add3A_596 = arith.addi %mul3A_555, %add3A_595 : i32
      %get3A_597 = arith.index_cast %add3A_596 : i32 to index
      %get3A_598 = tpu.vector_load %arg7[%get3A_597] {strides = array<i32>} : memref<10000xi32, #tpu.memory_space<vmem>>, vector<16xi32>,
      tpu.vector_store_idx %arg8[%get3A_598], %broadcast_in_dim3A_81 {add = true} : memref<1024xf32, #tpu.memory_space<vmem>>[vector<16xi32>], vector<16xf32>,
      %mul3A_599 = arith.constant 5 : i32
      %mul3A_600 = arith.muli %add3A_549, %mul3A_599 : i32
      %add3A_601 = arith.constant 1 : i32
      %add3A_602 = arith.addi %mul3A_600, %add3A_601 : i32
      %mul3A_603 = arith.constant 80 : i32
      %mul3A_604 = arith.muli %add3A_602, %mul3A_603 : i32
      %add3A_605 = arith.addi %mul3A_2, %mul3A_604 : i32
      %dma_wait3A_606 = arith.constant 1 : i32
      %dma_wait3A_607 = arith.constant 0 : i32
      %dma_wait3A_608 = arith.constant 0 : i32
      %dma_wait3A_609 = tpu.memref_slice %arg6[%dma_wait3A_606, %dma_wait3A_607, %dma_wait3A_608] : memref<5x80x128xf32, #tpu.memory_space<vmem>> -> memref<1x80x128xf32, #tpu.memory_space<vmem>>
      %dma_wait3A_610 = tpu.memref_squeeze %dma_wait3A_609 : memref<1x80x128xf32, #tpu.memory_space<vmem>> -> memref<80x128xf32, #tpu.memory_space<vmem>>
      %dma_wait3A_611 = arith.constant 0 : i32
      %dma_wait3A_612 = tpu.memref_slice %arg2[%add3A_605, %dma_wait3A_611] : memref<320000x128xf32, #tpu.memory_space<hbm>> -> memref<80x128xf32, #tpu.memory_space<hbm>>
      %dma_wait3A_613 = arith.constant 0 : i32
      %dma_wait3A_614 = arith.constant 0 : i32
      %dma_wait3A_615 = tpu.memref_slice %arg6[%dma_wait3A_606, %dma_wait3A_613, %dma_wait3A_614] : memref<5x80x128xf32, #tpu.memory_space<vmem>> -> memref<1x80x128xf32, #tpu.memory_space<vmem>>
      %dma_wait3A_616 = tpu.memref_squeeze %dma_wait3A_615 : memref<1x80x128xf32, #tpu.memory_space<vmem>> -> memref<80x128xf32, #tpu.memory_space<vmem>>
      %dma_wait3A_617 = arith.constant 0 : i32
      %dma_wait3A_618 = tpu.memref_slice %arg2[%add3A_605, %dma_wait3A_617] : memref<320000x128xf32, #tpu.memory_space<hbm>> -> memref<80x128xf32, #tpu.memory_space<hbm>>
      tpu.wait_dma2 semaphore(%arg15 : memref<!tpu.dma_semaphore, #tpu.memory_space<semaphore_mem>>) src(%dma_wait3A_618 : memref<80x128xf32, #tpu.memory_space<hbm>>) dst(%dma_wait3A_616 : memref<80x128xf32, #tpu.memory_space<vmem>>)
      %dma_start3A_619 = arith.constant 1 : i32
      %dma_start3A_620 = arith.constant 0 : i32
      %dma_start3A_621 = arith.constant 0 : i32
      %dma_start3A_622 = tpu.memref_slice %arg6[%dma_start3A_619, %dma_start3A_620, %dma_start3A_621] : memref<5x80x128xf32, #tpu.memory_space<vmem>> -> memref<1x80x128xf32, #tpu.memory_space<vmem>>
      %dma_start3A_623 = tpu.memref_squeeze %dma_start3A_622 : memref<1x80x128xf32, #tpu.memory_space<vmem>> -> memref<80x128xf32, #tpu.memory_space<vmem>>
      %dma_start3A_624 = tpu.memref_slice %arg7[%mul3A_604] : memref<10000xi32, #tpu.memory_space<vmem>> -> memref<80xi32, #tpu.memory_space<vmem>>
      %dma_start3A_625 = arith.constant 0 : i32
      %dma_start3A_626 = arith.constant 0 : i32
      %dma_start3A_627 = tpu.memref_slice %arg12[%dma_start3A_625, %dma_start3A_626] : memref<1024x128xf32, #tpu.memory_space<vmem_shared>> -> memref<1024x128xf32, #tpu.memory_space<vmem_shared>>
      tpu.enqueue_indirect_dma source(%dma_start3A_623 : memref<80x128xf32, #tpu.memory_space<vmem>>) target(%dma_start3A_627 : memref<1024x128xf32, #tpu.memory_space<vmem_shared>>) offsets(%dma_start3A_624 : memref<80xi32, #tpu.memory_space<vmem>>) semaphore(%arg20 : memref<!tpu.dma_semaphore, #tpu.memory_space<semaphore_mem>>) {add = true}
      %add3A_628 = arith.constant 0 : i32
      %add3A_629 = arith.addi %mul3A_604, %add3A_628 : i32
      %get3A_630 = arith.index_cast %add3A_629 : i32 to index
      %get3A_631 = tpu.vector_load %arg7[%get3A_630] {strides = array<i32>} : memref<10000xi32, #tpu.memory_space<vmem>>, vector<16xi32>,
      tpu.vector_store_idx %arg8[%get3A_631], %broadcast_in_dim3A_81 {add = true} : memref<1024xf32, #tpu.memory_space<vmem>>[vector<16xi32>], vector<16xf32>,
      %add3A_632 = arith.constant 16 : i32
      %add3A_633 = arith.addi %mul3A_604, %add3A_632 : i32
      %get3A_634 = arith.index_cast %add3A_633 : i32 to index
      %get3A_635 = tpu.vector_load %arg7[%get3A_634] {strides = array<i32>} : memref<10000xi32, #tpu.memory_space<vmem>>, vector<16xi32>,
      tpu.vector_store_idx %arg8[%get3A_635], %broadcast_in_dim3A_81 {add = true} : memref<1024xf32, #tpu.memory_space<vmem>>[vector<16xi32>], vector<16xf32>,
      %add3A_636 = arith.constant 32 : i32
      %add3A_637 = arith.addi %mul3A_604, %add3A_636 : i32
      %get3A_638 = arith.index_cast %add3A_637 : i32 to index
      %get3A_639 = tpu.vector_load %arg7[%get3A_638] {strides = array<i32>} : memref<10000xi32, #tpu.memory_space<vmem>>, vector<16xi32>,
      tpu.vector_store_idx %arg8[%get3A_639], %broadcast_in_dim3A_81 {add = true} : memref<1024xf32, #tpu.memory_space<vmem>>[vector<16xi32>], vector<16xf32>,
      %add3A_640 = arith.constant 48 : i32
      %add3A_641 = arith.addi %mul3A_604, %add3A_640 : i32
      %get3A_642 = arith.index_cast %add3A_641 : i32 to index
      %get3A_643 = tpu.vector_load %arg7[%get3A_642] {strides = array<i32>} : memref<10000xi32, #tpu.memory_space<vmem>>, vector<16xi32>,
      tpu.vector_store_idx %arg8[%get3A_643], %broadcast_in_dim3A_81 {add = true} : memref<1024xf32, #tpu.memory_space<vmem>>[vector<16xi32>], vector<16xf32>,
      %add3A_644 = arith.constant 64 : i32
      %add3A_645 = arith.addi %mul3A_604, %add3A_644 : i32
      %get3A_646 = arith.index_cast %add3A_645 : i32 to index
      %get3A_647 = tpu.vector_load %arg7[%get3A_646] {strides = array<i32>} : memref<10000xi32, #tpu.memory_space<vmem>>, vector<16xi32>,
      tpu.vector_store_idx %arg8[%get3A_647], %broadcast_in_dim3A_81 {add = true} : memref<1024xf32, #tpu.memory_space<vmem>>[vector<16xi32>], vector<16xf32>,
      %mul3A_648 = arith.constant 5 : i32
      %mul3A_649 = arith.muli %add3A_549, %mul3A_648 : i32
      %add3A_650 = arith.constant 2 : i32
      %add3A_651 = arith.addi %mul3A_649, %add3A_650 : i32
      %mul3A_652 = arith.constant 80 : i32
      %mul3A_653 = arith.muli %add3A_651, %mul3A_652 : i32
      %add3A_654 = arith.addi %mul3A_2, %mul3A_653 : i32
      %dma_wait3A_655 = arith.constant 2 : i32
      %dma_wait3A_656 = arith.constant 0 : i32
      %dma_wait3A_657 = arith.constant 0 : i32
      %dma_wait3A_658 = tpu.memref_slice %arg6[%dma_wait3A_655, %dma_wait3A_656, %dma_wait3A_657] : memref<5x80x128xf32, #tpu.memory_space<vmem>> -> memref<1x80x128xf32, #tpu.memory_space<vmem>>
      %dma_wait3A_659 = tpu.memref_squeeze %dma_wait3A_658 : memref<1x80x128xf32, #tpu.memory_space<vmem>> -> memref<80x128xf32, #tpu.memory_space<vmem>>
      %dma_wait3A_660 = arith.constant 0 : i32
      %dma_wait3A_661 = tpu.memref_slice %arg2[%add3A_654, %dma_wait3A_660] : memref<320000x128xf32, #tpu.memory_space<hbm>> -> memref<80x128xf32, #tpu.memory_space<hbm>>
      %dma_wait3A_662 = arith.constant 0 : i32
      %dma_wait3A_663 = arith.constant 0 : i32
      %dma_wait3A_664 = tpu.memref_slice %arg6[%dma_wait3A_655, %dma_wait3A_662, %dma_wait3A_663] : memref<5x80x128xf32, #tpu.memory_space<vmem>> -> memref<1x80x128xf32, #tpu.memory_space<vmem>>
      %dma_wait3A_665 = tpu.memref_squeeze %dma_wait3A_664 : memref<1x80x128xf32, #tpu.memory_space<vmem>> -> memref<80x128xf32, #tpu.memory_space<vmem>>
      %dma_wait3A_666 = arith.constant 0 : i32
      %dma_wait3A_667 = tpu.memref_slice %arg2[%add3A_654, %dma_wait3A_666] : memref<320000x128xf32, #tpu.memory_space<hbm>> -> memref<80x128xf32, #tpu.memory_space<hbm>>
      tpu.wait_dma2 semaphore(%arg16 : memref<!tpu.dma_semaphore, #tpu.memory_space<semaphore_mem>>) src(%dma_wait3A_667 : memref<80x128xf32, #tpu.memory_space<hbm>>) dst(%dma_wait3A_665 : memref<80x128xf32, #tpu.memory_space<vmem>>)
      %dma_start3A_668 = arith.constant 2 : i32
      %dma_start3A_669 = arith.constant 0 : i32
      %dma_start3A_670 = arith.constant 0 : i32
      %dma_start3A_671 = tpu.memref_slice %arg6[%dma_start3A_668, %dma_start3A_669, %dma_start3A_670] : memref<5x80x128xf32, #tpu.memory_space<vmem>> -> memref<1x80x128xf32, #tpu.memory_space<vmem>>
      %dma_start3A_672 = tpu.memref_squeeze %dma_start3A_671 : memref<1x80x128xf32, #tpu.memory_space<vmem>> -> memref<80x128xf32, #tpu.memory_space<vmem>>
      %dma_start3A_673 = tpu.memref_slice %arg7[%mul3A_653] : memref<10000xi32, #tpu.memory_space<vmem>> -> memref<80xi32, #tpu.memory_space<vmem>>
      %dma_start3A_674 = arith.constant 0 : i32
      %dma_start3A_675 = arith.constant 0 : i32
      %dma_start3A_676 = tpu.memref_slice %arg12[%dma_start3A_674, %dma_start3A_675] : memref<1024x128xf32, #tpu.memory_space<vmem_shared>> -> memref<1024x128xf32, #tpu.memory_space<vmem_shared>>
      tpu.enqueue_indirect_dma source(%dma_start3A_672 : memref<80x128xf32, #tpu.memory_space<vmem>>) target(%dma_start3A_676 : memref<1024x128xf32, #tpu.memory_space<vmem_shared>>) offsets(%dma_start3A_673 : memref<80xi32, #tpu.memory_space<vmem>>) semaphore(%arg21 : memref<!tpu.dma_semaphore, #tpu.memory_space<semaphore_mem>>) {add = true}
      %add3A_677 = arith.constant 0 : i32
      %add3A_678 = arith.addi %mul3A_653, %add3A_677 : i32
      %get3A_679 = arith.index_cast %add3A_678 : i32 to index
      %get3A_680 = tpu.vector_load %arg7[%get3A_679] {strides = array<i32>} : memref<10000xi32, #tpu.memory_space<vmem>>, vector<16xi32>,
      tpu.vector_store_idx %arg8[%get3A_680], %broadcast_in_dim3A_81 {add = true} : memref<1024xf32, #tpu.memory_space<vmem>>[vector<16xi32>], vector<16xf32>,
      %add3A_681 = arith.constant 16 : i32
      %add3A_682 = arith.addi %mul3A_653, %add3A_681 : i32
      %get3A_683 = arith.index_cast %add3A_682 : i32 to index
      %get3A_684 = tpu.vector_load %arg7[%get3A_683] {strides = array<i32>} : memref<10000xi32, #tpu.memory_space<vmem>>, vector<16xi32>,
      tpu.vector_store_idx %arg8[%get3A_684], %broadcast_in_dim3A_81 {add = true} : memref<1024xf32, #tpu.memory_space<vmem>>[vector<16xi32>], vector<16xf32>,
      %add3A_685 = arith.constant 32 : i32
      %add3A_686 = arith.addi %mul3A_653, %add3A_685 : i32
      %get3A_687 = arith.index_cast %add3A_686 : i32 to index
      %get3A_688 = tpu.vector_load %arg7[%get3A_687] {strides = array<i32>} : memref<10000xi32, #tpu.memory_space<vmem>>, vector<16xi32>,
      tpu.vector_store_idx %arg8[%get3A_688], %broadcast_in_dim3A_81 {add = true} : memref<1024xf32, #tpu.memory_space<vmem>>[vector<16xi32>], vector<16xf32>,
      %add3A_689 = arith.constant 48 : i32
      %add3A_690 = arith.addi %mul3A_653, %add3A_689 : i32
      %get3A_691 = arith.index_cast %add3A_690 : i32 to index
      %get3A_692 = tpu.vector_load %arg7[%get3A_691] {strides = array<i32>} : memref<10000xi32, #tpu.memory_space<vmem>>, vector<16xi32>,
      tpu.vector_store_idx %arg8[%get3A_692], %broadcast_in_dim3A_81 {add = true} : memref<1024xf32, #tpu.memory_space<vmem>>[vector<16xi32>], vector<16xf32>,
      %add3A_693 = arith.constant 64 : i32
      %add3A_694 = arith.addi %mul3A_653, %add3A_693 : i32
      %get3A_695 = arith.index_cast %add3A_694 : i32 to index
      %get3A_696 = tpu.vector_load %arg7[%get3A_695] {strides = array<i32>} : memref<10000xi32, #tpu.memory_space<vmem>>, vector<16xi32>,
      tpu.vector_store_idx %arg8[%get3A_696], %broadcast_in_dim3A_81 {add = true} : memref<1024xf32, #tpu.memory_space<vmem>>[vector<16xi32>], vector<16xf32>,
      %mul3A_697 = arith.constant 5 : i32
      %mul3A_698 = arith.muli %add3A_549, %mul3A_697 : i32
      %add3A_699 = arith.constant 3 : i32
      %add3A_700 = arith.addi %mul3A_698, %add3A_699 : i32
      %mul3A_701 = arith.constant 80 : i32
      %mul3A_702 = arith.muli %add3A_700, %mul3A_701 : i32
      %add3A_703 = arith.addi %mul3A_2, %mul3A_702 : i32
      %dma_wait3A_704 = arith.constant 3 : i32
      %dma_wait3A_705 = arith.constant 0 : i32
      %dma_wait3A_706 = arith.constant 0 : i32
      %dma_wait3A_707 = tpu.memref_slice %arg6[%dma_wait3A_704, %dma_wait3A_705, %dma_wait3A_706] : memref<5x80x128xf32, #tpu.memory_space<vmem>> -> memref<1x80x128xf32, #tpu.memory_space<vmem>>
      %dma_wait3A_708 = tpu.memref_squeeze %dma_wait3A_707 : memref<1x80x128xf32, #tpu.memory_space<vmem>> -> memref<80x128xf32, #tpu.memory_space<vmem>>
      %dma_wait3A_709 = arith.constant 0 : i32
      %dma_wait3A_710 = tpu.memref_slice %arg2[%add3A_703, %dma_wait3A_709] : memref<320000x128xf32, #tpu.memory_space<hbm>> -> memref<80x128xf32, #tpu.memory_space<hbm>>
      %dma_wait3A_711 = arith.constant 0 : i32
      %dma_wait3A_712 = arith.constant 0 : i32
      %dma_wait3A_713 = tpu.memref_slice %arg6[%dma_wait3A_704, %dma_wait3A_711, %dma_wait3A_712] : memref<5x80x128xf32, #tpu.memory_space<vmem>> -> memref<1x80x128xf32, #tpu.memory_space<vmem>>
      %dma_wait3A_714 = tpu.memref_squeeze %dma_wait3A_713 : memref<1x80x128xf32, #tpu.memory_space<vmem>> -> memref<80x128xf32, #tpu.memory_space<vmem>>
      %dma_wait3A_715 = arith.constant 0 : i32
      %dma_wait3A_716 = tpu.memref_slice %arg2[%add3A_703, %dma_wait3A_715] : memref<320000x128xf32, #tpu.memory_space<hbm>> -> memref<80x128xf32, #tpu.memory_space<hbm>>
      tpu.wait_dma2 semaphore(%arg17 : memref<!tpu.dma_semaphore, #tpu.memory_space<semaphore_mem>>) src(%dma_wait3A_716 : memref<80x128xf32, #tpu.memory_space<hbm>>) dst(%dma_wait3A_714 : memref<80x128xf32, #tpu.memory_space<vmem>>)
      %dma_start3A_717 = arith.constant 3 : i32
      %dma_start3A_718 = arith.constant 0 : i32
      %dma_start3A_719 = arith.constant 0 : i32
      %dma_start3A_720 = tpu.memref_slice %arg6[%dma_start3A_717, %dma_start3A_718, %dma_start3A_719] : memref<5x80x128xf32, #tpu.memory_space<vmem>> -> memref<1x80x128xf32, #tpu.memory_space<vmem>>
      %dma_start3A_721 = tpu.memref_squeeze %dma_start3A_720 : memref<1x80x128xf32, #tpu.memory_space<vmem>> -> memref<80x128xf32, #tpu.memory_space<vmem>>
      %dma_start3A_722 = tpu.memref_slice %arg7[%mul3A_702] : memref<10000xi32, #tpu.memory_space<vmem>> -> memref<80xi32, #tpu.memory_space<vmem>>
      %dma_start3A_723 = arith.constant 0 : i32
      %dma_start3A_724 = arith.constant 0 : i32
      %dma_start3A_725 = tpu.memref_slice %arg12[%dma_start3A_723, %dma_start3A_724] : memref<1024x128xf32, #tpu.memory_space<vmem_shared>> -> memref<1024x128xf32, #tpu.memory_space<vmem_shared>>
      tpu.enqueue_indirect_dma source(%dma_start3A_721 : memref<80x128xf32, #tpu.memory_space<vmem>>) target(%dma_start3A_725 : memref<1024x128xf32, #tpu.memory_space<vmem_shared>>) offsets(%dma_start3A_722 : memref<80xi32, #tpu.memory_space<vmem>>) semaphore(%arg22 : memref<!tpu.dma_semaphore, #tpu.memory_space<semaphore_mem>>) {add = true}
      %add3A_726 = arith.constant 0 : i32
      %add3A_727 = arith.addi %mul3A_702, %add3A_726 : i32
      %get3A_728 = arith.index_cast %add3A_727 : i32 to index
      %get3A_729 = tpu.vector_load %arg7[%get3A_728] {strides = array<i32>} : memref<10000xi32, #tpu.memory_space<vmem>>, vector<16xi32>,
      tpu.vector_store_idx %arg8[%get3A_729], %broadcast_in_dim3A_81 {add = true} : memref<1024xf32, #tpu.memory_space<vmem>>[vector<16xi32>], vector<16xf32>,
      %add3A_730 = arith.constant 16 : i32
      %add3A_731 = arith.addi %mul3A_702, %add3A_730 : i32
      %get3A_732 = arith.index_cast %add3A_731 : i32 to index
      %get3A_733 = tpu.vector_load %arg7[%get3A_732] {strides = array<i32>} : memref<10000xi32, #tpu.memory_space<vmem>>, vector<16xi32>,
      tpu.vector_store_idx %arg8[%get3A_733], %broadcast_in_dim3A_81 {add = true} : memref<1024xf32, #tpu.memory_space<vmem>>[vector<16xi32>], vector<16xf32>,
      %add3A_734 = arith.constant 32 : i32
      %add3A_735 = arith.addi %mul3A_702, %add3A_734 : i32
      %get3A_736 = arith.index_cast %add3A_735 : i32 to index
      %get3A_737 = tpu.vector_load %arg7[%get3A_736] {strides = array<i32>} : memref<10000xi32, #tpu.memory_space<vmem>>, vector<16xi32>,
      tpu.vector_store_idx %arg8[%get3A_737], %broadcast_in_dim3A_81 {add = true} : memref<1024xf32, #tpu.memory_space<vmem>>[vector<16xi32>], vector<16xf32>,
      %add3A_738 = arith.constant 48 : i32
      %add3A_739 = arith.addi %mul3A_702, %add3A_738 : i32
      %get3A_740 = arith.index_cast %add3A_739 : i32 to index
      %get3A_741 = tpu.vector_load %arg7[%get3A_740] {strides = array<i32>} : memref<10000xi32, #tpu.memory_space<vmem>>, vector<16xi32>,
      tpu.vector_store_idx %arg8[%get3A_741], %broadcast_in_dim3A_81 {add = true} : memref<1024xf32, #tpu.memory_space<vmem>>[vector<16xi32>], vector<16xf32>,
      %add3A_742 = arith.constant 64 : i32
      %add3A_743 = arith.addi %mul3A_702, %add3A_742 : i32
      %get3A_744 = arith.index_cast %add3A_743 : i32 to index
      %get3A_745 = tpu.vector_load %arg7[%get3A_744] {strides = array<i32>} : memref<10000xi32, #tpu.memory_space<vmem>>, vector<16xi32>,
      tpu.vector_store_idx %arg8[%get3A_745], %broadcast_in_dim3A_81 {add = true} : memref<1024xf32, #tpu.memory_space<vmem>>[vector<16xi32>], vector<16xf32>,
      %mul3A_746 = arith.constant 5 : i32
      %mul3A_747 = arith.muli %add3A_549, %mul3A_746 : i32
      %add3A_748 = arith.constant 4 : i32
      %add3A_749 = arith.addi %mul3A_747, %add3A_748 : i32
      %mul3A_750 = arith.constant 80 : i32
      %mul3A_751 = arith.muli %add3A_749, %mul3A_750 : i32
      %add3A_752 = arith.addi %mul3A_2, %mul3A_751 : i32
      %dma_wait3A_753 = arith.constant 4 : i32
      %dma_wait3A_754 = arith.constant 0 : i32
      %dma_wait3A_755 = arith.constant 0 : i32
      %dma_wait3A_756 = tpu.memref_slice %arg6[%dma_wait3A_753, %dma_wait3A_754, %dma_wait3A_755] : memref<5x80x128xf32, #tpu.memory_space<vmem>> -> memref<1x80x128xf32, #tpu.memory_space<vmem>>
      %dma_wait3A_757 = tpu.memref_squeeze %dma_wait3A_756 : memref<1x80x128xf32, #tpu.memory_space<vmem>> -> memref<80x128xf32, #tpu.memory_space<vmem>>
      %dma_wait3A_758 = arith.constant 0 : i32
      %dma_wait3A_759 = tpu.memref_slice %arg2[%add3A_752, %dma_wait3A_758] : memref<320000x128xf32, #tpu.memory_space<hbm>> -> memref<80x128xf32, #tpu.memory_space<hbm>>
      %dma_wait3A_760 = arith.constant 0 : i32
      %dma_wait3A_761 = arith.constant 0 : i32
      %dma_wait3A_762 = tpu.memref_slice %arg6[%dma_wait3A_753, %dma_wait3A_760, %dma_wait3A_761] : memref<5x80x128xf32, #tpu.memory_space<vmem>> -> memref<1x80x128xf32, #tpu.memory_space<vmem>>
      %dma_wait3A_763 = tpu.memref_squeeze %dma_wait3A_762 : memref<1x80x128xf32, #tpu.memory_space<vmem>> -> memref<80x128xf32, #tpu.memory_space<vmem>>
      %dma_wait3A_764 = arith.constant 0 : i32
      %dma_wait3A_765 = tpu.memref_slice %arg2[%add3A_752, %dma_wait3A_764] : memref<320000x128xf32, #tpu.memory_space<hbm>> -> memref<80x128xf32, #tpu.memory_space<hbm>>
      tpu.wait_dma2 semaphore(%arg18 : memref<!tpu.dma_semaphore, #tpu.memory_space<semaphore_mem>>) src(%dma_wait3A_765 : memref<80x128xf32, #tpu.memory_space<hbm>>) dst(%dma_wait3A_763 : memref<80x128xf32, #tpu.memory_space<vmem>>)
      %dma_start3A_766 = arith.constant 4 : i32
      %dma_start3A_767 = arith.constant 0 : i32
      %dma_start3A_768 = arith.constant 0 : i32
      %dma_start3A_769 = tpu.memref_slice %arg6[%dma_start3A_766, %dma_start3A_767, %dma_start3A_768] : memref<5x80x128xf32, #tpu.memory_space<vmem>> -> memref<1x80x128xf32, #tpu.memory_space<vmem>>
      %dma_start3A_770 = tpu.memref_squeeze %dma_start3A_769 : memref<1x80x128xf32, #tpu.memory_space<vmem>> -> memref<80x128xf32, #tpu.memory_space<vmem>>
      %dma_start3A_771 = tpu.memref_slice %arg7[%mul3A_751] : memref<10000xi32, #tpu.memory_space<vmem>> -> memref<80xi32, #tpu.memory_space<vmem>>
      %dma_start3A_772 = arith.constant 0 : i32
      %dma_start3A_773 = arith.constant 0 : i32
      %dma_start3A_774 = tpu.memref_slice %arg12[%dma_start3A_772, %dma_start3A_773] : memref<1024x128xf32, #tpu.memory_space<vmem_shared>> -> memref<1024x128xf32, #tpu.memory_space<vmem_shared>>
      tpu.enqueue_indirect_dma source(%dma_start3A_770 : memref<80x128xf32, #tpu.memory_space<vmem>>) target(%dma_start3A_774 : memref<1024x128xf32, #tpu.memory_space<vmem_shared>>) offsets(%dma_start3A_771 : memref<80xi32, #tpu.memory_space<vmem>>) semaphore(%arg23 : memref<!tpu.dma_semaphore, #tpu.memory_space<semaphore_mem>>) {add = true}
      %add3A_775 = arith.constant 0 : i32
      %add3A_776 = arith.addi %mul3A_751, %add3A_775 : i32
      %get3A_777 = arith.index_cast %add3A_776 : i32 to index
      %get3A_778 = tpu.vector_load %arg7[%get3A_777] {strides = array<i32>} : memref<10000xi32, #tpu.memory_space<vmem>>, vector<16xi32>,
      tpu.vector_store_idx %arg8[%get3A_778], %broadcast_in_dim3A_81 {add = true} : memref<1024xf32, #tpu.memory_space<vmem>>[vector<16xi32>], vector<16xf32>,
      %add3A_779 = arith.constant 16 : i32
      %add3A_780 = arith.addi %mul3A_751, %add3A_779 : i32
      %get3A_781 = arith.index_cast %add3A_780 : i32 to index
      %get3A_782 = tpu.vector_load %arg7[%get3A_781] {strides = array<i32>} : memref<10000xi32, #tpu.memory_space<vmem>>, vector<16xi32>,
      tpu.vector_store_idx %arg8[%get3A_782], %broadcast_in_dim3A_81 {add = true} : memref<1024xf32, #tpu.memory_space<vmem>>[vector<16xi32>], vector<16xf32>,
      %add3A_783 = arith.constant 32 : i32
      %add3A_784 = arith.addi %mul3A_751, %add3A_783 : i32
      %get3A_785 = arith.index_cast %add3A_784 : i32 to index
      %get3A_786 = tpu.vector_load %arg7[%get3A_785] {strides = array<i32>} : memref<10000xi32, #tpu.memory_space<vmem>>, vector<16xi32>,
      tpu.vector_store_idx %arg8[%get3A_786], %broadcast_in_dim3A_81 {add = true} : memref<1024xf32, #tpu.memory_space<vmem>>[vector<16xi32>], vector<16xf32>,
      %add3A_787 = arith.constant 48 : i32
      %add3A_788 = arith.addi %mul3A_751, %add3A_787 : i32
      %get3A_789 = arith.index_cast %add3A_788 : i32 to index
      %get3A_790 = tpu.vector_load %arg7[%get3A_789] {strides = array<i32>} : memref<10000xi32, #tpu.memory_space<vmem>>, vector<16xi32>,
      tpu.vector_store_idx %arg8[%get3A_790], %broadcast_in_dim3A_81 {add = true} : memref<1024xf32, #tpu.memory_space<vmem>>[vector<16xi32>], vector<16xf32>,
      %add3A_791 = arith.constant 64 : i32
      %add3A_792 = arith.addi %mul3A_751, %add3A_791 : i32
      %get3A_793 = arith.index_cast %add3A_792 : i32 to index
      %get3A_794 = tpu.vector_load %arg7[%get3A_793] {strides = array<i32>} : memref<10000xi32, #tpu.memory_space<vmem>>, vector<16xi32>,
      tpu.vector_store_idx %arg8[%get3A_794], %broadcast_in_dim3A_81 {add = true} : memref<1024xf32, #tpu.memory_space<vmem>>[vector<16xi32>], vector<16xf32>,
      %lt3A = arith.constant 24 : i32
      %lt3A_795 = arith.cmpi slt, %add3A_549, %lt3A : i32
      %convert_element_type3A = arith.extui %lt3A_795 : i1 to i32
      %cond3A = arith.constant 0 : i32
      %cond3A_796 = arith.cmpi ne, %convert_element_type3A, %cond3A : i32
      scf.if %cond3A_796 {
        %mul3A_797 = arith.constant 5 : i32
        %mul3A_798 = arith.muli %add3A_549, %mul3A_797 : i32
        %add3A_799 = arith.constant 0 : i32
        %add3A_800 = arith.addi %mul3A_798, %add3A_799 : i32
        %mul3A_801 = arith.constant 80 : i32
        %mul3A_802 = arith.muli %add3A_800, %mul3A_801 : i32
        %add3A_803 = arith.constant 1 : i32
        %add3A_804 = arith.addi %add3A_549, %add3A_803 : i32
        %mul3A_805 = arith.constant 5 : i32
        %mul3A_806 = arith.muli %add3A_804, %mul3A_805 : i32
        %add3A_807 = arith.constant 0 : i32
        %add3A_808 = arith.addi %mul3A_806, %add3A_807 : i32
        %mul3A_809 = arith.constant 80 : i32
        %mul3A_810 = arith.muli %add3A_808, %mul3A_809 : i32
        %add3A_811 = arith.addi %mul3A_2, %mul3A_810 : i32
        %dma_wait3A_812 = arith.constant 0 : i32
        %dma_wait3A_813 = arith.constant 0 : i32
        %dma_wait3A_814 = arith.constant 0 : i32
        %dma_wait3A_815 = tpu.memref_slice %arg6[%dma_wait3A_812, %dma_wait3A_813, %dma_wait3A_814] : memref<5x80x128xf32, #tpu.memory_space<vmem>> -> memref<1x80x128xf32, #tpu.memory_space<vmem>>
        %dma_wait3A_816 = tpu.memref_squeeze %dma_wait3A_815 : memref<1x80x128xf32, #tpu.memory_space<vmem>> -> memref<80x128xf32, #tpu.memory_space<vmem>>
        %dma_wait3A_817 = tpu.memref_slice %arg7[%mul3A_802] : memref<10000xi32, #tpu.memory_space<vmem>> -> memref<80xi32, #tpu.memory_space<vmem>>
        %dma_wait3A_818 = arith.constant 0 : i32
        %dma_wait3A_819 = arith.constant 0 : i32
        %dma_wait3A_820 = tpu.memref_slice %arg12[%dma_wait3A_818, %dma_wait3A_819] : memref<1024x128xf32, #tpu.memory_space<vmem_shared>> -> memref<1024x128xf32, #tpu.memory_space<vmem_shared>>
        tpu.wait_indirect_dma semaphore(%arg19 : memref<!tpu.dma_semaphore, #tpu.memory_space<semaphore_mem>>) src(%dma_wait3A_816 : memref<80x128xf32, #tpu.memory_space<vmem>>) dst(%dma_wait3A_820 : memref<1024x128xf32, #tpu.memory_space<vmem_shared>>)
        %dma_start3A_821 = arith.constant 0 : i32
        %dma_start3A_822 = arith.constant 0 : i32
        %dma_start3A_823 = arith.constant 0 : i32
        %dma_start3A_824 = tpu.memref_slice %arg6[%dma_start3A_821, %dma_start3A_822, %dma_start3A_823] : memref<5x80x128xf32, #tpu.memory_space<vmem>> -> memref<1x80x128xf32, #tpu.memory_space<vmem>>
        %dma_start3A_825 = tpu.memref_squeeze %dma_start3A_824 : memref<1x80x128xf32, #tpu.memory_space<vmem>> -> memref<80x128xf32, #tpu.memory_space<vmem>>
        %dma_start3A_826 = arith.constant 0 : i32
        %dma_start3A_827 = tpu.memref_slice %arg2[%add3A_811, %dma_start3A_826] : memref<320000x128xf32, #tpu.memory_space<hbm>> -> memref<80x128xf32, #tpu.memory_space<hbm>>
        %dma_start3A_828 = arith.constant 0 : i32
        %dma_start3A_829 = arith.constant 0 : i32
        %dma_start3A_830 = tpu.memref_slice %arg6[%dma_start3A_821, %dma_start3A_828, %dma_start3A_829] : memref<5x80x128xf32, #tpu.memory_space<vmem>> -> memref<1x80x128xf32, #tpu.memory_space<vmem>>
        %dma_start3A_831 = tpu.memref_squeeze %dma_start3A_830 : memref<1x80x128xf32, #tpu.memory_space<vmem>> -> memref<80x128xf32, #tpu.memory_space<vmem>>
        %dma_start3A_832 = arith.constant 0 : i32
        %dma_start3A_833 = tpu.memref_slice %arg2[%add3A_811, %dma_start3A_832] : memref<320000x128xf32, #tpu.memory_space<hbm>> -> memref<80x128xf32, #tpu.memory_space<hbm>>
        tpu.enqueue_dma source(%dma_start3A_833 : memref<80x128xf32, #tpu.memory_space<hbm>>) target(%dma_start3A_831 : memref<80x128xf32, #tpu.memory_space<vmem>>) target_semaphore(%arg14 : memref<!tpu.dma_semaphore, #tpu.memory_space<semaphore_mem>>)
        %mul3A_834 = arith.constant 5 : i32
        %mul3A_835 = arith.muli %add3A_549, %mul3A_834 : i32
        %add3A_836 = arith.constant 1 : i32
        %add3A_837 = arith.addi %mul3A_835, %add3A_836 : i32
        %mul3A_838 = arith.constant 80 : i32
        %mul3A_839 = arith.muli %add3A_837, %mul3A_838 : i32
        %add3A_840 = arith.constant 1 : i32
        %add3A_841 = arith.addi %add3A_549, %add3A_840 : i32
        %mul3A_842 = arith.constant 5 : i32
        %mul3A_843 = arith.muli %add3A_841, %mul3A_842 : i32
        %add3A_844 = arith.constant 1 : i32
        %add3A_845 = arith.addi %mul3A_843, %add3A_844 : i32
        %mul3A_846 = arith.constant 80 : i32
        %mul3A_847 = arith.muli %add3A_845, %mul3A_846 : i32
        %add3A_848 = arith.addi %mul3A_2, %mul3A_847 : i32
        %dma_wait3A_849 = arith.constant 1 : i32
        %dma_wait3A_850 = arith.constant 0 : i32
        %dma_wait3A_851 = arith.constant 0 : i32
        %dma_wait3A_852 = tpu.memref_slice %arg6[%dma_wait3A_849, %dma_wait3A_850, %dma_wait3A_851] : memref<5x80x128xf32, #tpu.memory_space<vmem>> -> memref<1x80x128xf32, #tpu.memory_space<vmem>>
        %dma_wait3A_853 = tpu.memref_squeeze %dma_wait3A_852 : memref<1x80x128xf32, #tpu.memory_space<vmem>> -> memref<80x128xf32, #tpu.memory_space<vmem>>
        %dma_wait3A_854 = tpu.memref_slice %arg7[%mul3A_839] : memref<10000xi32, #tpu.memory_space<vmem>> -> memref<80xi32, #tpu.memory_space<vmem>>
        %dma_wait3A_855 = arith.constant 0 : i32
        %dma_wait3A_856 = arith.constant 0 : i32
        %dma_wait3A_857 = tpu.memref_slice %arg12[%dma_wait3A_855, %dma_wait3A_856] : memref<1024x128xf32, #tpu.memory_space<vmem_shared>> -> memref<1024x128xf32, #tpu.memory_space<vmem_shared>>
        tpu.wait_indirect_dma semaphore(%arg20 : memref<!tpu.dma_semaphore, #tpu.memory_space<semaphore_mem>>) src(%dma_wait3A_853 : memref<80x128xf32, #tpu.memory_space<vmem>>) dst(%dma_wait3A_857 : memref<1024x128xf32, #tpu.memory_space<vmem_shared>>)
        %dma_start3A_858 = arith.constant 1 : i32
        %dma_start3A_859 = arith.constant 0 : i32
        %dma_start3A_860 = arith.constant 0 : i32
        %dma_start3A_861 = tpu.memref_slice %arg6[%dma_start3A_858, %dma_start3A_859, %dma_start3A_860] : memref<5x80x128xf32, #tpu.memory_space<vmem>> -> memref<1x80x128xf32, #tpu.memory_space<vmem>>
        %dma_start3A_862 = tpu.memref_squeeze %dma_start3A_861 : memref<1x80x128xf32, #tpu.memory_space<vmem>> -> memref<80x128xf32, #tpu.memory_space<vmem>>
        %dma_start3A_863 = arith.constant 0 : i32
        %dma_start3A_864 = tpu.memref_slice %arg2[%add3A_848, %dma_start3A_863] : memref<320000x128xf32, #tpu.memory_space<hbm>> -> memref<80x128xf32, #tpu.memory_space<hbm>>
        %dma_start3A_865 = arith.constant 0 : i32
        %dma_start3A_866 = arith.constant 0 : i32
        %dma_start3A_867 = tpu.memref_slice %arg6[%dma_start3A_858, %dma_start3A_865, %dma_start3A_866] : memref<5x80x128xf32, #tpu.memory_space<vmem>> -> memref<1x80x128xf32, #tpu.memory_space<vmem>>
        %dma_start3A_868 = tpu.memref_squeeze %dma_start3A_867 : memref<1x80x128xf32, #tpu.memory_space<vmem>> -> memref<80x128xf32, #tpu.memory_space<vmem>>
        %dma_start3A_869 = arith.constant 0 : i32
        %dma_start3A_870 = tpu.memref_slice %arg2[%add3A_848, %dma_start3A_869] : memref<320000x128xf32, #tpu.memory_space<hbm>> -> memref<80x128xf32, #tpu.memory_space<hbm>>
        tpu.enqueue_dma source(%dma_start3A_870 : memref<80x128xf32, #tpu.memory_space<hbm>>) target(%dma_start3A_868 : memref<80x128xf32, #tpu.memory_space<vmem>>) target_semaphore(%arg15 : memref<!tpu.dma_semaphore, #tpu.memory_space<semaphore_mem>>)
        %mul3A_871 = arith.constant 5 : i32
        %mul3A_872 = arith.muli %add3A_549, %mul3A_871 : i32
        %add3A_873 = arith.constant 2 : i32
        %add3A_874 = arith.addi %mul3A_872, %add3A_873 : i32
        %mul3A_875 = arith.constant 80 : i32
        %mul3A_876 = arith.muli %add3A_874, %mul3A_875 : i32
        %add3A_877 = arith.constant 1 : i32
        %add3A_878 = arith.addi %add3A_549, %add3A_877 : i32
        %mul3A_879 = arith.constant 5 : i32
        %mul3A_880 = arith.muli %add3A_878, %mul3A_879 : i32
        %add3A_881 = arith.constant 2 : i32
        %add3A_882 = arith.addi %mul3A_880, %add3A_881 : i32
        %mul3A_883 = arith.constant 80 : i32
        %mul3A_884 = arith.muli %add3A_882, %mul3A_883 : i32
        %add3A_885 = arith.addi %mul3A_2, %mul3A_884 : i32
        %dma_wait3A_886 = arith.constant 2 : i32
        %dma_wait3A_887 = arith.constant 0 : i32
        %dma_wait3A_888 = arith.constant 0 : i32
        %dma_wait3A_889 = tpu.memref_slice %arg6[%dma_wait3A_886, %dma_wait3A_887, %dma_wait3A_888] : memref<5x80x128xf32, #tpu.memory_space<vmem>> -> memref<1x80x128xf32, #tpu.memory_space<vmem>>
        %dma_wait3A_890 = tpu.memref_squeeze %dma_wait3A_889 : memref<1x80x128xf32, #tpu.memory_space<vmem>> -> memref<80x128xf32, #tpu.memory_space<vmem>>
        %dma_wait3A_891 = tpu.memref_slice %arg7[%mul3A_876] : memref<10000xi32, #tpu.memory_space<vmem>> -> memref<80xi32, #tpu.memory_space<vmem>>
        %dma_wait3A_892 = arith.constant 0 : i32
        %dma_wait3A_893 = arith.constant 0 : i32
        %dma_wait3A_894 = tpu.memref_slice %arg12[%dma_wait3A_892, %dma_wait3A_893] : memref<1024x128xf32, #tpu.memory_space<vmem_shared>> -> memref<1024x128xf32, #tpu.memory_space<vmem_shared>>
        tpu.wait_indirect_dma semaphore(%arg21 : memref<!tpu.dma_semaphore, #tpu.memory_space<semaphore_mem>>) src(%dma_wait3A_890 : memref<80x128xf32, #tpu.memory_space<vmem>>) dst(%dma_wait3A_894 : memref<1024x128xf32, #tpu.memory_space<vmem_shared>>)
        %dma_start3A_895 = arith.constant 2 : i32
        %dma_start3A_896 = arith.constant 0 : i32
        %dma_start3A_897 = arith.constant 0 : i32
        %dma_start3A_898 = tpu.memref_slice %arg6[%dma_start3A_895, %dma_start3A_896, %dma_start3A_897] : memref<5x80x128xf32, #tpu.memory_space<vmem>> -> memref<1x80x128xf32, #tpu.memory_space<vmem>>
        %dma_start3A_899 = tpu.memref_squeeze %dma_start3A_898 : memref<1x80x128xf32, #tpu.memory_space<vmem>> -> memref<80x128xf32, #tpu.memory_space<vmem>>
        %dma_start3A_900 = arith.constant 0 : i32
        %dma_start3A_901 = tpu.memref_slice %arg2[%add3A_885, %dma_start3A_900] : memref<320000x128xf32, #tpu.memory_space<hbm>> -> memref<80x128xf32, #tpu.memory_space<hbm>>
        %dma_start3A_902 = arith.constant 0 : i32
        %dma_start3A_903 = arith.constant 0 : i32
        %dma_start3A_904 = tpu.memref_slice %arg6[%dma_start3A_895, %dma_start3A_902, %dma_start3A_903] : memref<5x80x128xf32, #tpu.memory_space<vmem>> -> memref<1x80x128xf32, #tpu.memory_space<vmem>>
        %dma_start3A_905 = tpu.memref_squeeze %dma_start3A_904 : memref<1x80x128xf32, #tpu.memory_space<vmem>> -> memref<80x128xf32, #tpu.memory_space<vmem>>
        %dma_start3A_906 = arith.constant 0 : i32
        %dma_start3A_907 = tpu.memref_slice %arg2[%add3A_885, %dma_start3A_906] : memref<320000x128xf32, #tpu.memory_space<hbm>> -> memref<80x128xf32, #tpu.memory_space<hbm>>
        tpu.enqueue_dma source(%dma_start3A_907 : memref<80x128xf32, #tpu.memory_space<hbm>>) target(%dma_start3A_905 : memref<80x128xf32, #tpu.memory_space<vmem>>) target_semaphore(%arg16 : memref<!tpu.dma_semaphore, #tpu.memory_space<semaphore_mem>>)
        %mul3A_908 = arith.constant 5 : i32
        %mul3A_909 = arith.muli %add3A_549, %mul3A_908 : i32
        %add3A_910 = arith.constant 3 : i32
        %add3A_911 = arith.addi %mul3A_909, %add3A_910 : i32
        %mul3A_912 = arith.constant 80 : i32
        %mul3A_913 = arith.muli %add3A_911, %mul3A_912 : i32
        %add3A_914 = arith.constant 1 : i32
        %add3A_915 = arith.addi %add3A_549, %add3A_914 : i32
        %mul3A_916 = arith.constant 5 : i32
        %mul3A_917 = arith.muli %add3A_915, %mul3A_916 : i32
        %add3A_918 = arith.constant 3 : i32
        %add3A_919 = arith.addi %mul3A_917, %add3A_918 : i32
        %mul3A_920 = arith.constant 80 : i32
        %mul3A_921 = arith.muli %add3A_919, %mul3A_920 : i32
        %add3A_922 = arith.addi %mul3A_2, %mul3A_921 : i32
        %dma_wait3A_923 = arith.constant 3 : i32
        %dma_wait3A_924 = arith.constant 0 : i32
        %dma_wait3A_925 = arith.constant 0 : i32
        %dma_wait3A_926 = tpu.memref_slice %arg6[%dma_wait3A_923, %dma_wait3A_924, %dma_wait3A_925] : memref<5x80x128xf32, #tpu.memory_space<vmem>> -> memref<1x80x128xf32, #tpu.memory_space<vmem>>
        %dma_wait3A_927 = tpu.memref_squeeze %dma_wait3A_926 : memref<1x80x128xf32, #tpu.memory_space<vmem>> -> memref<80x128xf32, #tpu.memory_space<vmem>>
        %dma_wait3A_928 = tpu.memref_slice %arg7[%mul3A_913] : memref<10000xi32, #tpu.memory_space<vmem>> -> memref<80xi32, #tpu.memory_space<vmem>>
        %dma_wait3A_929 = arith.constant 0 : i32
        %dma_wait3A_930 = arith.constant 0 : i32
        %dma_wait3A_931 = tpu.memref_slice %arg12[%dma_wait3A_929, %dma_wait3A_930] : memref<1024x128xf32, #tpu.memory_space<vmem_shared>> -> memref<1024x128xf32, #tpu.memory_space<vmem_shared>>
        tpu.wait_indirect_dma semaphore(%arg22 : memref<!tpu.dma_semaphore, #tpu.memory_space<semaphore_mem>>) src(%dma_wait3A_927 : memref<80x128xf32, #tpu.memory_space<vmem>>) dst(%dma_wait3A_931 : memref<1024x128xf32, #tpu.memory_space<vmem_shared>>)
        %dma_start3A_932 = arith.constant 3 : i32
        %dma_start3A_933 = arith.constant 0 : i32
        %dma_start3A_934 = arith.constant 0 : i32
        %dma_start3A_935 = tpu.memref_slice %arg6[%dma_start3A_932, %dma_start3A_933, %dma_start3A_934] : memref<5x80x128xf32, #tpu.memory_space<vmem>> -> memref<1x80x128xf32, #tpu.memory_space<vmem>>
        %dma_start3A_936 = tpu.memref_squeeze %dma_start3A_935 : memref<1x80x128xf32, #tpu.memory_space<vmem>> -> memref<80x128xf32, #tpu.memory_space<vmem>>
        %dma_start3A_937 = arith.constant 0 : i32
        %dma_start3A_938 = tpu.memref_slice %arg2[%add3A_922, %dma_start3A_937] : memref<320000x128xf32, #tpu.memory_space<hbm>> -> memref<80x128xf32, #tpu.memory_space<hbm>>
        %dma_start3A_939 = arith.constant 0 : i32
        %dma_start3A_940 = arith.constant 0 : i32
        %dma_start3A_941 = tpu.memref_slice %arg6[%dma_start3A_932, %dma_start3A_939, %dma_start3A_940] : memref<5x80x128xf32, #tpu.memory_space<vmem>> -> memref<1x80x128xf32, #tpu.memory_space<vmem>>
        %dma_start3A_942 = tpu.memref_squeeze %dma_start3A_941 : memref<1x80x128xf32, #tpu.memory_space<vmem>> -> memref<80x128xf32, #tpu.memory_space<vmem>>
        %dma_start3A_943 = arith.constant 0 : i32
        %dma_start3A_944 = tpu.memref_slice %arg2[%add3A_922, %dma_start3A_943] : memref<320000x128xf32, #tpu.memory_space<hbm>> -> memref<80x128xf32, #tpu.memory_space<hbm>>
        tpu.enqueue_dma source(%dma_start3A_944 : memref<80x128xf32, #tpu.memory_space<hbm>>) target(%dma_start3A_942 : memref<80x128xf32, #tpu.memory_space<vmem>>) target_semaphore(%arg17 : memref<!tpu.dma_semaphore, #tpu.memory_space<semaphore_mem>>)
        %mul3A_945 = arith.constant 5 : i32
        %mul3A_946 = arith.muli %add3A_549, %mul3A_945 : i32
        %add3A_947 = arith.constant 4 : i32
        %add3A_948 = arith.addi %mul3A_946, %add3A_947 : i32
        %mul3A_949 = arith.constant 80 : i32
        %mul3A_950 = arith.muli %add3A_948, %mul3A_949 : i32
        %add3A_951 = arith.constant 1 : i32
        %add3A_952 = arith.addi %add3A_549, %add3A_951 : i32
        %mul3A_953 = arith.constant 5 : i32
        %mul3A_954 = arith.muli %add3A_952, %mul3A_953 : i32
        %add3A_955 = arith.constant 4 : i32
        %add3A_956 = arith.addi %mul3A_954, %add3A_955 : i32
        %mul3A_957 = arith.constant 80 : i32
        %mul3A_958 = arith.muli %add3A_956, %mul3A_957 : i32
        %add3A_959 = arith.addi %mul3A_2, %mul3A_958 : i32
        %dma_wait3A_960 = arith.constant 4 : i32
        %dma_wait3A_961 = arith.constant 0 : i32
        %dma_wait3A_962 = arith.constant 0 : i32
        %dma_wait3A_963 = tpu.memref_slice %arg6[%dma_wait3A_960, %dma_wait3A_961, %dma_wait3A_962] : memref<5x80x128xf32, #tpu.memory_space<vmem>> -> memref<1x80x128xf32, #tpu.memory_space<vmem>>
        %dma_wait3A_964 = tpu.memref_squeeze %dma_wait3A_963 : memref<1x80x128xf32, #tpu.memory_space<vmem>> -> memref<80x128xf32, #tpu.memory_space<vmem>>
        %dma_wait3A_965 = tpu.memref_slice %arg7[%mul3A_950] : memref<10000xi32, #tpu.memory_space<vmem>> -> memref<80xi32, #tpu.memory_space<vmem>>
        %dma_wait3A_966 = arith.constant 0 : i32
        %dma_wait3A_967 = arith.constant 0 : i32
        %dma_wait3A_968 = tpu.memref_slice %arg12[%dma_wait3A_966, %dma_wait3A_967] : memref<1024x128xf32, #tpu.memory_space<vmem_shared>> -> memref<1024x128xf32, #tpu.memory_space<vmem_shared>>
        tpu.wait_indirect_dma semaphore(%arg23 : memref<!tpu.dma_semaphore, #tpu.memory_space<semaphore_mem>>) src(%dma_wait3A_964 : memref<80x128xf32, #tpu.memory_space<vmem>>) dst(%dma_wait3A_968 : memref<1024x128xf32, #tpu.memory_space<vmem_shared>>)
        %dma_start3A_969 = arith.constant 4 : i32
        %dma_start3A_970 = arith.constant 0 : i32
        %dma_start3A_971 = arith.constant 0 : i32
        %dma_start3A_972 = tpu.memref_slice %arg6[%dma_start3A_969, %dma_start3A_970, %dma_start3A_971] : memref<5x80x128xf32, #tpu.memory_space<vmem>> -> memref<1x80x128xf32, #tpu.memory_space<vmem>>
        %dma_start3A_973 = tpu.memref_squeeze %dma_start3A_972 : memref<1x80x128xf32, #tpu.memory_space<vmem>> -> memref<80x128xf32, #tpu.memory_space<vmem>>
        %dma_start3A_974 = arith.constant 0 : i32
        %dma_start3A_975 = tpu.memref_slice %arg2[%add3A_959, %dma_start3A_974] : memref<320000x128xf32, #tpu.memory_space<hbm>> -> memref<80x128xf32, #tpu.memory_space<hbm>>
        %dma_start3A_976 = arith.constant 0 : i32
        %dma_start3A_977 = arith.constant 0 : i32
        %dma_start3A_978 = tpu.memref_slice %arg6[%dma_start3A_969, %dma_start3A_976, %dma_start3A_977] : memref<5x80x128xf32, #tpu.memory_space<vmem>> -> memref<1x80x128xf32, #tpu.memory_space<vmem>>
        %dma_start3A_979 = tpu.memref_squeeze %dma_start3A_978 : memref<1x80x128xf32, #tpu.memory_space<vmem>> -> memref<80x128xf32, #tpu.memory_space<vmem>>
        %dma_start3A_980 = arith.constant 0 : i32
        %dma_start3A_981 = tpu.memref_slice %arg2[%add3A_959, %dma_start3A_980] : memref<320000x128xf32, #tpu.memory_space<hbm>> -> memref<80x128xf32, #tpu.memory_space<hbm>>
        tpu.enqueue_dma source(%dma_start3A_981 : memref<80x128xf32, #tpu.memory_space<hbm>>) target(%dma_start3A_979 : memref<80x128xf32, #tpu.memory_space<vmem>>) target_semaphore(%arg18 : memref<!tpu.dma_semaphore, #tpu.memory_space<semaphore_mem>>)
      } else {
      }
    }
    %scan3A_98 = arith.constant 25 : i32
    %dma_wait3A_99 = arith.constant 0 : i32
    %dma_wait3A_100 = arith.constant 0 : i32
    %dma_wait3A_101 = arith.constant 0 : i32
    %dma_wait3A_102 = tpu.memref_slice %arg6[%dma_wait3A_99, %dma_wait3A_100, %dma_wait3A_101] : memref<5x80x128xf32, #tpu.memory_space<vmem>> -> memref<1x80x128xf32, #tpu.memory_space<vmem>>
    %dma_wait3A_103 = tpu.memref_squeeze %dma_wait3A_102 : memref<1x80x128xf32, #tpu.memory_space<vmem>> -> memref<80x128xf32, #tpu.memory_space<vmem>>
    %dma_wait3A_104 = arith.constant 9600 : i32
    %dma_wait3A_105 = tpu.memref_slice %arg7[%dma_wait3A_104] : memref<10000xi32, #tpu.memory_space<vmem>> -> memref<80xi32, #tpu.memory_space<vmem>>
    %dma_wait3A_106 = arith.constant 0 : i32
    %dma_wait3A_107 = arith.constant 0 : i32
    %dma_wait3A_108 = tpu.memref_slice %arg12[%dma_wait3A_106, %dma_wait3A_107] : memref<1024x128xf32, #tpu.memory_space<vmem_shared>> -> memref<1024x128xf32, #tpu.memory_space<vmem_shared>>
    tpu.wait_indirect_dma semaphore(%arg19 : memref<!tpu.dma_semaphore, #tpu.memory_space<semaphore_mem>>) src(%dma_wait3A_103 : memref<80x128xf32, #tpu.memory_space<vmem>>) dst(%dma_wait3A_108 : memref<1024x128xf32, #tpu.memory_space<vmem_shared>>)
    %dma_wait3A_109 = arith.constant 1 : i32
    %dma_wait3A_110 = arith.constant 0 : i32
    %dma_wait3A_111 = arith.constant 0 : i32
    %dma_wait3A_112 = tpu.memref_slice %arg6[%dma_wait3A_109, %dma_wait3A_110, %dma_wait3A_111] : memref<5x80x128xf32, #tpu.memory_space<vmem>> -> memref<1x80x128xf32, #tpu.memory_space<vmem>>
    %dma_wait3A_113 = tpu.memref_squeeze %dma_wait3A_112 : memref<1x80x128xf32, #tpu.memory_space<vmem>> -> memref<80x128xf32, #tpu.memory_space<vmem>>
    %dma_wait3A_114 = arith.constant 9680 : i32
    %dma_wait3A_115 = tpu.memref_slice %arg7[%dma_wait3A_114] : memref<10000xi32, #tpu.memory_space<vmem>> -> memref<80xi32, #tpu.memory_space<vmem>>
    %dma_wait3A_116 = arith.constant 0 : i32
    %dma_wait3A_117 = arith.constant 0 : i32
    %dma_wait3A_118 = tpu.memref_slice %arg12[%dma_wait3A_116, %dma_wait3A_117] : memref<1024x128xf32, #tpu.memory_space<vmem_shared>> -> memref<1024x128xf32, #tpu.memory_space<vmem_shared>>
    tpu.wait_indirect_dma semaphore(%arg20 : memref<!tpu.dma_semaphore, #tpu.memory_space<semaphore_mem>>) src(%dma_wait3A_113 : memref<80x128xf32, #tpu.memory_space<vmem>>) dst(%dma_wait3A_118 : memref<1024x128xf32, #tpu.memory_space<vmem_shared>>)
    %dma_wait3A_119 = arith.constant 2 : i32
    %dma_wait3A_120 = arith.constant 0 : i32
    %dma_wait3A_121 = arith.constant 0 : i32
    %dma_wait3A_122 = tpu.memref_slice %arg6[%dma_wait3A_119, %dma_wait3A_120, %dma_wait3A_121] : memref<5x80x128xf32, #tpu.memory_space<vmem>> -> memref<1x80x128xf32, #tpu.memory_space<vmem>>
    %dma_wait3A_123 = tpu.memref_squeeze %dma_wait3A_122 : memref<1x80x128xf32, #tpu.memory_space<vmem>> -> memref<80x128xf32, #tpu.memory_space<vmem>>
    %dma_wait3A_124 = arith.constant 9760 : i32
    %dma_wait3A_125 = tpu.memref_slice %arg7[%dma_wait3A_124] : memref<10000xi32, #tpu.memory_space<vmem>> -> memref<80xi32, #tpu.memory_space<vmem>>
    %dma_wait3A_126 = arith.constant 0 : i32
    %dma_wait3A_127 = arith.constant 0 : i32
    %dma_wait3A_128 = tpu.memref_slice %arg12[%dma_wait3A_126, %dma_wait3A_127] : memref<1024x128xf32, #tpu.memory_space<vmem_shared>> -> memref<1024x128xf32, #tpu.memory_space<vmem_shared>>
    tpu.wait_indirect_dma semaphore(%arg21 : memref<!tpu.dma_semaphore, #tpu.memory_space<semaphore_mem>>) src(%dma_wait3A_123 : memref<80x128xf32, #tpu.memory_space<vmem>>) dst(%dma_wait3A_128 : memref<1024x128xf32, #tpu.memory_space<vmem_shared>>)
    %dma_wait3A_129 = arith.constant 3 : i32
    %dma_wait3A_130 = arith.constant 0 : i32
    %dma_wait3A_131 = arith.constant 0 : i32
    %dma_wait3A_132 = tpu.memref_slice %arg6[%dma_wait3A_129, %dma_wait3A_130, %dma_wait3A_131] : memref<5x80x128xf32, #tpu.memory_space<vmem>> -> memref<1x80x128xf32, #tpu.memory_space<vmem>>
    %dma_wait3A_133 = tpu.memref_squeeze %dma_wait3A_132 : memref<1x80x128xf32, #tpu.memory_space<vmem>> -> memref<80x128xf32, #tpu.memory_space<vmem>>
    %dma_wait3A_134 = arith.constant 9840 : i32
    %dma_wait3A_135 = tpu.memref_slice %arg7[%dma_wait3A_134] : memref<10000xi32, #tpu.memory_space<vmem>> -> memref<80xi32, #tpu.memory_space<vmem>>
    %dma_wait3A_136 = arith.constant 0 : i32
    %dma_wait3A_137 = arith.constant 0 : i32
    %dma_wait3A_138 = tpu.memref_slice %arg12[%dma_wait3A_136, %dma_wait3A_137] : memref<1024x128xf32, #tpu.memory_space<vmem_shared>> -> memref<1024x128xf32, #tpu.memory_space<vmem_shared>>
    tpu.wait_indirect_dma semaphore(%arg22 : memref<!tpu.dma_semaphore, #tpu.memory_space<semaphore_mem>>) src(%dma_wait3A_133 : memref<80x128xf32, #tpu.memory_space<vmem>>) dst(%dma_wait3A_138 : memref<1024x128xf32, #tpu.memory_space<vmem_shared>>)
    %dma_wait3A_139 = arith.constant 4 : i32
    %dma_wait3A_140 = arith.constant 0 : i32
    %dma_wait3A_141 = arith.constant 0 : i32
    %dma_wait3A_142 = tpu.memref_slice %arg6[%dma_wait3A_139, %dma_wait3A_140, %dma_wait3A_141] : memref<5x80x128xf32, #tpu.memory_space<vmem>> -> memref<1x80x128xf32, #tpu.memory_space<vmem>>
    %dma_wait3A_143 = tpu.memref_squeeze %dma_wait3A_142 : memref<1x80x128xf32, #tpu.memory_space<vmem>> -> memref<80x128xf32, #tpu.memory_space<vmem>>
    %dma_wait3A_144 = arith.constant 9920 : i32
    %dma_wait3A_145 = tpu.memref_slice %arg7[%dma_wait3A_144] : memref<10000xi32, #tpu.memory_space<vmem>> -> memref<80xi32, #tpu.memory_space<vmem>>
    %dma_wait3A_146 = arith.constant 0 : i32
    %dma_wait3A_147 = arith.constant 0 : i32
    %dma_wait3A_148 = tpu.memref_slice %arg12[%dma_wait3A_146, %dma_wait3A_147] : memref<1024x128xf32, #tpu.memory_space<vmem_shared>> -> memref<1024x128xf32, #tpu.memory_space<vmem_shared>>
    tpu.wait_indirect_dma semaphore(%arg23 : memref<!tpu.dma_semaphore, #tpu.memory_space<semaphore_mem>>) src(%dma_wait3A_143 : memref<80x128xf32, #tpu.memory_space<vmem>>) dst(%dma_wait3A_148 : memref<1024x128xf32, #tpu.memory_space<vmem_shared>>)
    "tpu.region"() ({
      %run_scoped3A_545 = tpu.sem_alloc : memref<!tpu.dma_semaphore, #tpu.memory_space<semaphore_mem>>
      %dma_start3A_546 = arith.constant 0 : i32
      %dma_start3A_547 = tpu.memref_slice %arg13[%arg1, %dma_start3A_546] : memref<16x1024xf32, #tpu.memory_space<vmem_shared>> -> memref<1x1024xf32, #tpu.memory_space<vmem_shared>>
      %dma_start3A_548 = tpu.memref_squeeze %dma_start3A_547 : memref<1x1024xf32, #tpu.memory_space<vmem_shared>> -> memref<1024xf32, #tpu.memory_space<vmem_shared>>
      %dma_start3A_549 = arith.constant 0 : i32
      %dma_start3A_550 = tpu.memref_slice %arg13[%arg1, %dma_start3A_549] : memref<16x1024xf32, #tpu.memory_space<vmem_shared>> -> memref<1x1024xf32, #tpu.memory_space<vmem_shared>>
      %dma_start3A_551 = tpu.memref_squeeze %dma_start3A_550 : memref<1x1024xf32, #tpu.memory_space<vmem_shared>> -> memref<1024xf32, #tpu.memory_space<vmem_shared>>
      tpu.enqueue_dma source(%arg8 : memref<1024xf32, #tpu.memory_space<vmem>>) target(%dma_start3A_551 : memref<1024xf32, #tpu.memory_space<vmem_shared>>) target_semaphore(%run_scoped3A_545 : memref<!tpu.dma_semaphore, #tpu.memory_space<semaphore_mem>>)
      %dma_wait3A_552 = arith.constant 0 : i32
      %dma_wait3A_553 = tpu.memref_slice %arg13[%arg1, %dma_wait3A_552] : memref<16x1024xf32, #tpu.memory_space<vmem_shared>> -> memref<1x1024xf32, #tpu.memory_space<vmem_shared>>
      %dma_wait3A_554 = tpu.memref_squeeze %dma_wait3A_553 : memref<1x1024xf32, #tpu.memory_space<vmem_shared>> -> memref<1024xf32, #tpu.memory_space<vmem_shared>>
      %dma_wait3A_555 = arith.constant 0 : i32
      %dma_wait3A_556 = tpu.memref_slice %arg13[%arg1, %dma_wait3A_555] : memref<16x1024xf32, #tpu.memory_space<vmem_shared>> -> memref<1x1024xf32, #tpu.memory_space<vmem_shared>>
      %dma_wait3A_557 = tpu.memref_squeeze %dma_wait3A_556 : memref<1x1024xf32, #tpu.memory_space<vmem_shared>> -> memref<1024xf32, #tpu.memory_space<vmem_shared>>
      tpu.wait_dma2 semaphore(%run_scoped3A_545 : memref<!tpu.dma_semaphore, #tpu.memory_space<semaphore_mem>>) src(%arg8 : memref<1024xf32, #tpu.memory_space<vmem>>) dst(%dma_wait3A_557 : memref<1024xf32, #tpu.memory_space<vmem_shared>>)
      tpu.yield
    }) : () -> ()
    %barrier3A_149 = arith.constant 0 : index
    tpu.barrier barrier_id(%barrier3A_149)
    %mul3A_150 = arith.constant 64 : i32
    %mul3A_151 = arith.muli %arg1, %mul3A_150 : i32
    %run_scoped3A = arith.constant 0 : i32
    %run_scoped3A_152 = arith.constant 0 : i32
    "tpu.region"() ({
      %run_scoped3A_545 = tpu.sem_alloc : memref<!tpu.dma_semaphore, #tpu.memory_space<semaphore_mem>>
      %dma_start3A_546 = arith.constant 0 : i32
      %dma_start3A_547 = tpu.memref_slice %arg10[%run_scoped3A_152, %dma_start3A_546] : memref<16x64xf32, #tpu.memory_space<vmem>> -> memref<1x64xf32, #tpu.memory_space<vmem>>
      %dma_start3A_548 = tpu.memref_squeeze %dma_start3A_547 : memref<1x64xf32, #tpu.memory_space<vmem>> -> memref<64xf32, #tpu.memory_space<vmem>>
      %dma_start3A_549 = tpu.memref_slice %arg13[%run_scoped3A, %mul3A_151] : memref<16x1024xf32, #tpu.memory_space<vmem_shared>> -> memref<1x64xf32, #tpu.memory_space<vmem_shared>>
      %dma_start3A_550 = tpu.memref_squeeze %dma_start3A_549 : memref<1x64xf32, #tpu.memory_space<vmem_shared>> -> memref<64xf32, #tpu.memory_space<vmem_shared>>
      %dma_start3A_551 = arith.constant 0 : i32
      %dma_start3A_552 = tpu.memref_slice %arg10[%run_scoped3A_152, %dma_start3A_551] : memref<16x64xf32, #tpu.memory_space<vmem>> -> memref<1x64xf32, #tpu.memory_space<vmem>>
      %dma_start3A_553 = tpu.memref_squeeze %dma_start3A_552 : memref<1x64xf32, #tpu.memory_space<vmem>> -> memref<64xf32, #tpu.memory_space<vmem>>
      %dma_start3A_554 = tpu.memref_slice %arg13[%run_scoped3A, %mul3A_151] : memref<16x1024xf32, #tpu.memory_space<vmem_shared>> -> memref<1x64xf32, #tpu.memory_space<vmem_shared>>
      %dma_start3A_555 = tpu.memref_squeeze %dma_start3A_554 : memref<1x64xf32, #tpu.memory_space<vmem_shared>> -> memref<64xf32, #tpu.memory_space<vmem_shared>>
      tpu.enqueue_dma source(%dma_start3A_555 : memref<64xf32, #tpu.memory_space<vmem_shared>>) target(%dma_start3A_553 : memref<64xf32, #tpu.memory_space<vmem>>) target_semaphore(%run_scoped3A_545 : memref<!tpu.dma_semaphore, #tpu.memory_space<semaphore_mem>>)
      %dma_wait3A_556 = arith.constant 0 : i32
      %dma_wait3A_557 = tpu.memref_slice %arg10[%run_scoped3A_152, %dma_wait3A_556] : memref<16x64xf32, #tpu.memory_space<vmem>> -> memref<1x64xf32, #tpu.memory_space<vmem>>
      %dma_wait3A_558 = tpu.memref_squeeze %dma_wait3A_557 : memref<1x64xf32, #tpu.memory_space<vmem>> -> memref<64xf32, #tpu.memory_space<vmem>>
      %dma_wait3A_559 = tpu.memref_slice %arg13[%run_scoped3A, %mul3A_151] : memref<16x1024xf32, #tpu.memory_space<vmem_shared>> -> memref<1x64xf32, #tpu.memory_space<vmem_shared>>
      %dma_wait3A_560 = tpu.memref_squeeze %dma_wait3A_559 : memref<1x64xf32, #tpu.memory_space<vmem_shared>> -> memref<64xf32, #tpu.memory_space<vmem_shared>>
      %dma_wait3A_561 = arith.constant 0 : i32
      %dma_wait3A_562 = tpu.memref_slice %arg10[%run_scoped3A_152, %dma_wait3A_561] : memref<16x64xf32, #tpu.memory_space<vmem>> -> memref<1x64xf32, #tpu.memory_space<vmem>>
      %dma_wait3A_563 = tpu.memref_squeeze %dma_wait3A_562 : memref<1x64xf32, #tpu.memory_space<vmem>> -> memref<64xf32, #tpu.memory_space<vmem>>
      %dma_wait3A_564 = tpu.memref_slice %arg13[%run_scoped3A, %mul3A_151] : memref<16x1024xf32, #tpu.memory_space<vmem_shared>> -> memref<1x64xf32, #tpu.memory_space<vmem_shared>>
      %dma_wait3A_565 = tpu.memref_squeeze %dma_wait3A_564 : memref<1x64xf32, #tpu.memory_space<vmem_shared>> -> memref<64xf32, #tpu.memory_space<vmem_shared>>
      tpu.wait_dma2 semaphore(%run_scoped3A_545 : memref<!tpu.dma_semaphore, #tpu.memory_space<semaphore_mem>>) src(%dma_wait3A_565 : memref<64xf32, #tpu.memory_space<vmem_shared>>) dst(%dma_wait3A_563 : memref<64xf32, #tpu.memory_space<vmem>>)
      tpu.yield
    }) : () -> ()
    %mul3A_153 = arith.constant 64 : i32
    %mul3A_154 = arith.muli %arg1, %mul3A_153 : i32
    %run_scoped3A_155 = arith.constant 1 : i32
    %run_scoped3A_156 = arith.constant 1 : i32
    "tpu.region"() ({
      %run_scoped3A_545 = tpu.sem_alloc : memref<!tpu.dma_semaphore, #tpu.memory_space<semaphore_mem>>
      %dma_start3A_546 = arith.constant 0 : i32
      %dma_start3A_547 = tpu.memref_slice %arg10[%run_scoped3A_156, %dma_start3A_546] : memref<16x64xf32, #tpu.memory_space<vmem>> -> memref<1x64xf32, #tpu.memory_space<vmem>>
      %dma_start3A_548 = tpu.memref_squeeze %dma_start3A_547 : memref<1x64xf32, #tpu.memory_space<vmem>> -> memref<64xf32, #tpu.memory_space<vmem>>
      %dma_start3A_549 = tpu.memref_slice %arg13[%run_scoped3A_155, %mul3A_154] : memref<16x1024xf32, #tpu.memory_space<vmem_shared>> -> memref<1x64xf32, #tpu.memory_space<vmem_shared>>
      %dma_start3A_550 = tpu.memref_squeeze %dma_start3A_549 : memref<1x64xf32, #tpu.memory_space<vmem_shared>> -> memref<64xf32, #tpu.memory_space<vmem_shared>>
      %dma_start3A_551 = arith.constant 0 : i32
      %dma_start3A_552 = tpu.memref_slice %arg10[%run_scoped3A_156, %dma_start3A_551] : memref<16x64xf32, #tpu.memory_space<vmem>> -> memref<1x64xf32, #tpu.memory_space<vmem>>
      %dma_start3A_553 = tpu.memref_squeeze %dma_start3A_552 : memref<1x64xf32, #tpu.memory_space<vmem>> -> memref<64xf32, #tpu.memory_space<vmem>>
      %dma_start3A_554 = tpu.memref_slice %arg13[%run_scoped3A_155, %mul3A_154] : memref<16x1024xf32, #tpu.memory_space<vmem_shared>> -> memref<1x64xf32, #tpu.memory_space<vmem_shared>>
      %dma_start3A_555 = tpu.memref_squeeze %dma_start3A_554 : memref<1x64xf32, #tpu.memory_space<vmem_shared>> -> memref<64xf32, #tpu.memory_space<vmem_shared>>
      tpu.enqueue_dma source(%dma_start3A_555 : memref<64xf32, #tpu.memory_space<vmem_shared>>) target(%dma_start3A_553 : memref<64xf32, #tpu.memory_space<vmem>>) target_semaphore(%run_scoped3A_545 : memref<!tpu.dma_semaphore, #tpu.memory_space<semaphore_mem>>)
      %dma_wait3A_556 = arith.constant 0 : i32
      %dma_wait3A_557 = tpu.memref_slice %arg10[%run_scoped3A_156, %dma_wait3A_556] : memref<16x64xf32, #tpu.memory_space<vmem>> -> memref<1x64xf32, #tpu.memory_space<vmem>>
      %dma_wait3A_558 = tpu.memref_squeeze %dma_wait3A_557 : memref<1x64xf32, #tpu.memory_space<vmem>> -> memref<64xf32, #tpu.memory_space<vmem>>
      %dma_wait3A_559 = tpu.memref_slice %arg13[%run_scoped3A_155, %mul3A_154] : memref<16x1024xf32, #tpu.memory_space<vmem_shared>> -> memref<1x64xf32, #tpu.memory_space<vmem_shared>>
      %dma_wait3A_560 = tpu.memref_squeeze %dma_wait3A_559 : memref<1x64xf32, #tpu.memory_space<vmem_shared>> -> memref<64xf32, #tpu.memory_space<vmem_shared>>
      %dma_wait3A_561 = arith.constant 0 : i32
      %dma_wait3A_562 = tpu.memref_slice %arg10[%run_scoped3A_156, %dma_wait3A_561] : memref<16x64xf32, #tpu.memory_space<vmem>> -> memref<1x64xf32, #tpu.memory_space<vmem>>
      %dma_wait3A_563 = tpu.memref_squeeze %dma_wait3A_562 : memref<1x64xf32, #tpu.memory_space<vmem>> -> memref<64xf32, #tpu.memory_space<vmem>>
      %dma_wait3A_564 = tpu.memref_slice %arg13[%run_scoped3A_155, %mul3A_154] : memref<16x1024xf32, #tpu.memory_space<vmem_shared>> -> memref<1x64xf32, #tpu.memory_space<vmem_shared>>
      %dma_wait3A_565 = tpu.memref_squeeze %dma_wait3A_564 : memref<1x64xf32, #tpu.memory_space<vmem_shared>> -> memref<64xf32, #tpu.memory_space<vmem_shared>>
      tpu.wait_dma2 semaphore(%run_scoped3A_545 : memref<!tpu.dma_semaphore, #tpu.memory_space<semaphore_mem>>) src(%dma_wait3A_565 : memref<64xf32, #tpu.memory_space<vmem_shared>>) dst(%dma_wait3A_563 : memref<64xf32, #tpu.memory_space<vmem>>)
      tpu.yield
    }) : () -> ()
    %mul3A_157 = arith.constant 64 : i32
    %mul3A_158 = arith.muli %arg1, %mul3A_157 : i32
    %run_scoped3A_159 = arith.constant 2 : i32
    %run_scoped3A_160 = arith.constant 2 : i32
    "tpu.region"() ({
      %run_scoped3A_545 = tpu.sem_alloc : memref<!tpu.dma_semaphore, #tpu.memory_space<semaphore_mem>>
      %dma_start3A_546 = arith.constant 0 : i32
      %dma_start3A_547 = tpu.memref_slice %arg10[%run_scoped3A_160, %dma_start3A_546] : memref<16x64xf32, #tpu.memory_space<vmem>> -> memref<1x64xf32, #tpu.memory_space<vmem>>
      %dma_start3A_548 = tpu.memref_squeeze %dma_start3A_547 : memref<1x64xf32, #tpu.memory_space<vmem>> -> memref<64xf32, #tpu.memory_space<vmem>>
      %dma_start3A_549 = tpu.memref_slice %arg13[%run_scoped3A_159, %mul3A_158] : memref<16x1024xf32, #tpu.memory_space<vmem_shared>> -> memref<1x64xf32, #tpu.memory_space<vmem_shared>>
      %dma_start3A_550 = tpu.memref_squeeze %dma_start3A_549 : memref<1x64xf32, #tpu.memory_space<vmem_shared>> -> memref<64xf32, #tpu.memory_space<vmem_shared>>
      %dma_start3A_551 = arith.constant 0 : i32
      %dma_start3A_552 = tpu.memref_slice %arg10[%run_scoped3A_160, %dma_start3A_551] : memref<16x64xf32, #tpu.memory_space<vmem>> -> memref<1x64xf32, #tpu.memory_space<vmem>>
      %dma_start3A_553 = tpu.memref_squeeze %dma_start3A_552 : memref<1x64xf32, #tpu.memory_space<vmem>> -> memref<64xf32, #tpu.memory_space<vmem>>
      %dma_start3A_554 = tpu.memref_slice %arg13[%run_scoped3A_159, %mul3A_158] : memref<16x1024xf32, #tpu.memory_space<vmem_shared>> -> memref<1x64xf32, #tpu.memory_space<vmem_shared>>
      %dma_start3A_555 = tpu.memref_squeeze %dma_start3A_554 : memref<1x64xf32, #tpu.memory_space<vmem_shared>> -> memref<64xf32, #tpu.memory_space<vmem_shared>>
      tpu.enqueue_dma source(%dma_start3A_555 : memref<64xf32, #tpu.memory_space<vmem_shared>>) target(%dma_start3A_553 : memref<64xf32, #tpu.memory_space<vmem>>) target_semaphore(%run_scoped3A_545 : memref<!tpu.dma_semaphore, #tpu.memory_space<semaphore_mem>>)
      %dma_wait3A_556 = arith.constant 0 : i32
      %dma_wait3A_557 = tpu.memref_slice %arg10[%run_scoped3A_160, %dma_wait3A_556] : memref<16x64xf32, #tpu.memory_space<vmem>> -> memref<1x64xf32, #tpu.memory_space<vmem>>
      %dma_wait3A_558 = tpu.memref_squeeze %dma_wait3A_557 : memref<1x64xf32, #tpu.memory_space<vmem>> -> memref<64xf32, #tpu.memory_space<vmem>>
      %dma_wait3A_559 = tpu.memref_slice %arg13[%run_scoped3A_159, %mul3A_158] : memref<16x1024xf32, #tpu.memory_space<vmem_shared>> -> memref<1x64xf32, #tpu.memory_space<vmem_shared>>
      %dma_wait3A_560 = tpu.memref_squeeze %dma_wait3A_559 : memref<1x64xf32, #tpu.memory_space<vmem_shared>> -> memref<64xf32, #tpu.memory_space<vmem_shared>>
      %dma_wait3A_561 = arith.constant 0 : i32
      %dma_wait3A_562 = tpu.memref_slice %arg10[%run_scoped3A_160, %dma_wait3A_561] : memref<16x64xf32, #tpu.memory_space<vmem>> -> memref<1x64xf32, #tpu.memory_space<vmem>>
      %dma_wait3A_563 = tpu.memref_squeeze %dma_wait3A_562 : memref<1x64xf32, #tpu.memory_space<vmem>> -> memref<64xf32, #tpu.memory_space<vmem>>
      %dma_wait3A_564 = tpu.memref_slice %arg13[%run_scoped3A_159, %mul3A_158] : memref<16x1024xf32, #tpu.memory_space<vmem_shared>> -> memref<1x64xf32, #tpu.memory_space<vmem_shared>>
      %dma_wait3A_565 = tpu.memref_squeeze %dma_wait3A_564 : memref<1x64xf32, #tpu.memory_space<vmem_shared>> -> memref<64xf32, #tpu.memory_space<vmem_shared>>
      tpu.wait_dma2 semaphore(%run_scoped3A_545 : memref<!tpu.dma_semaphore, #tpu.memory_space<semaphore_mem>>) src(%dma_wait3A_565 : memref<64xf32, #tpu.memory_space<vmem_shared>>) dst(%dma_wait3A_563 : memref<64xf32, #tpu.memory_space<vmem>>)
      tpu.yield
    }) : () -> ()
    %mul3A_161 = arith.constant 64 : i32
    %mul3A_162 = arith.muli %arg1, %mul3A_161 : i32
    %run_scoped3A_163 = arith.constant 3 : i32
    %run_scoped3A_164 = arith.constant 3 : i32
    "tpu.region"() ({
      %run_scoped3A_545 = tpu.sem_alloc : memref<!tpu.dma_semaphore, #tpu.memory_space<semaphore_mem>>
      %dma_start3A_546 = arith.constant 0 : i32
      %dma_start3A_547 = tpu.memref_slice %arg10[%run_scoped3A_164, %dma_start3A_546] : memref<16x64xf32, #tpu.memory_space<vmem>> -> memref<1x64xf32, #tpu.memory_space<vmem>>
      %dma_start3A_548 = tpu.memref_squeeze %dma_start3A_547 : memref<1x64xf32, #tpu.memory_space<vmem>> -> memref<64xf32, #tpu.memory_space<vmem>>
      %dma_start3A_549 = tpu.memref_slice %arg13[%run_scoped3A_163, %mul3A_162] : memref<16x1024xf32, #tpu.memory_space<vmem_shared>> -> memref<1x64xf32, #tpu.memory_space<vmem_shared>>
      %dma_start3A_550 = tpu.memref_squeeze %dma_start3A_549 : memref<1x64xf32, #tpu.memory_space<vmem_shared>> -> memref<64xf32, #tpu.memory_space<vmem_shared>>
      %dma_start3A_551 = arith.constant 0 : i32
      %dma_start3A_552 = tpu.memref_slice %arg10[%run_scoped3A_164, %dma_start3A_551] : memref<16x64xf32, #tpu.memory_space<vmem>> -> memref<1x64xf32, #tpu.memory_space<vmem>>
      %dma_start3A_553 = tpu.memref_squeeze %dma_start3A_552 : memref<1x64xf32, #tpu.memory_space<vmem>> -> memref<64xf32, #tpu.memory_space<vmem>>
      %dma_start3A_554 = tpu.memref_slice %arg13[%run_scoped3A_163, %mul3A_162] : memref<16x1024xf32, #tpu.memory_space<vmem_shared>> -> memref<1x64xf32, #tpu.memory_space<vmem_shared>>
      %dma_start3A_555 = tpu.memref_squeeze %dma_start3A_554 : memref<1x64xf32, #tpu.memory_space<vmem_shared>> -> memref<64xf32, #tpu.memory_space<vmem_shared>>
      tpu.enqueue_dma source(%dma_start3A_555 : memref<64xf32, #tpu.memory_space<vmem_shared>>) target(%dma_start3A_553 : memref<64xf32, #tpu.memory_space<vmem>>) target_semaphore(%run_scoped3A_545 : memref<!tpu.dma_semaphore, #tpu.memory_space<semaphore_mem>>)
      %dma_wait3A_556 = arith.constant 0 : i32
      %dma_wait3A_557 = tpu.memref_slice %arg10[%run_scoped3A_164, %dma_wait3A_556] : memref<16x64xf32, #tpu.memory_space<vmem>> -> memref<1x64xf32, #tpu.memory_space<vmem>>
      %dma_wait3A_558 = tpu.memref_squeeze %dma_wait3A_557 : memref<1x64xf32, #tpu.memory_space<vmem>> -> memref<64xf32, #tpu.memory_space<vmem>>
      %dma_wait3A_559 = tpu.memref_slice %arg13[%run_scoped3A_163, %mul3A_162] : memref<16x1024xf32, #tpu.memory_space<vmem_shared>> -> memref<1x64xf32, #tpu.memory_space<vmem_shared>>
      %dma_wait3A_560 = tpu.memref_squeeze %dma_wait3A_559 : memref<1x64xf32, #tpu.memory_space<vmem_shared>> -> memref<64xf32, #tpu.memory_space<vmem_shared>>
      %dma_wait3A_561 = arith.constant 0 : i32
      %dma_wait3A_562 = tpu.memref_slice %arg10[%run_scoped3A_164, %dma_wait3A_561] : memref<16x64xf32, #tpu.memory_space<vmem>> -> memref<1x64xf32, #tpu.memory_space<vmem>>
      %dma_wait3A_563 = tpu.memref_squeeze %dma_wait3A_562 : memref<1x64xf32, #tpu.memory_space<vmem>> -> memref<64xf32, #tpu.memory_space<vmem>>
      %dma_wait3A_564 = tpu.memref_slice %arg13[%run_scoped3A_163, %mul3A_162] : memref<16x1024xf32, #tpu.memory_space<vmem_shared>> -> memref<1x64xf32, #tpu.memory_space<vmem_shared>>
      %dma_wait3A_565 = tpu.memref_squeeze %dma_wait3A_564 : memref<1x64xf32, #tpu.memory_space<vmem_shared>> -> memref<64xf32, #tpu.memory_space<vmem_shared>>
      tpu.wait_dma2 semaphore(%run_scoped3A_545 : memref<!tpu.dma_semaphore, #tpu.memory_space<semaphore_mem>>) src(%dma_wait3A_565 : memref<64xf32, #tpu.memory_space<vmem_shared>>) dst(%dma_wait3A_563 : memref<64xf32, #tpu.memory_space<vmem>>)
      tpu.yield
    }) : () -> ()
    %mul3A_165 = arith.constant 64 : i32
    %mul3A_166 = arith.muli %arg1, %mul3A_165 : i32
    %run_scoped3A_167 = arith.constant 4 : i32
    %run_scoped3A_168 = arith.constant 4 : i32
    "tpu.region"() ({
      %run_scoped3A_545 = tpu.sem_alloc : memref<!tpu.dma_semaphore, #tpu.memory_space<semaphore_mem>>
      %dma_start3A_546 = arith.constant 0 : i32
      %dma_start3A_547 = tpu.memref_slice %arg10[%run_scoped3A_168, %dma_start3A_546] : memref<16x64xf32, #tpu.memory_space<vmem>> -> memref<1x64xf32, #tpu.memory_space<vmem>>
      %dma_start3A_548 = tpu.memref_squeeze %dma_start3A_547 : memref<1x64xf32, #tpu.memory_space<vmem>> -> memref<64xf32, #tpu.memory_space<vmem>>
      %dma_start3A_549 = tpu.memref_slice %arg13[%run_scoped3A_167, %mul3A_166] : memref<16x1024xf32, #tpu.memory_space<vmem_shared>> -> memref<1x64xf32, #tpu.memory_space<vmem_shared>>
      %dma_start3A_550 = tpu.memref_squeeze %dma_start3A_549 : memref<1x64xf32, #tpu.memory_space<vmem_shared>> -> memref<64xf32, #tpu.memory_space<vmem_shared>>
      %dma_start3A_551 = arith.constant 0 : i32
      %dma_start3A_552 = tpu.memref_slice %arg10[%run_scoped3A_168, %dma_start3A_551] : memref<16x64xf32, #tpu.memory_space<vmem>> -> memref<1x64xf32, #tpu.memory_space<vmem>>
      %dma_start3A_553 = tpu.memref_squeeze %dma_start3A_552 : memref<1x64xf32, #tpu.memory_space<vmem>> -> memref<64xf32, #tpu.memory_space<vmem>>
      %dma_start3A_554 = tpu.memref_slice %arg13[%run_scoped3A_167, %mul3A_166] : memref<16x1024xf32, #tpu.memory_space<vmem_shared>> -> memref<1x64xf32, #tpu.memory_space<vmem_shared>>
      %dma_start3A_555 = tpu.memref_squeeze %dma_start3A_554 : memref<1x64xf32, #tpu.memory_space<vmem_shared>> -> memref<64xf32, #tpu.memory_space<vmem_shared>>
      tpu.enqueue_dma source(%dma_start3A_555 : memref<64xf32, #tpu.memory_space<vmem_shared>>) target(%dma_start3A_553 : memref<64xf32, #tpu.memory_space<vmem>>) target_semaphore(%run_scoped3A_545 : memref<!tpu.dma_semaphore, #tpu.memory_space<semaphore_mem>>)
      %dma_wait3A_556 = arith.constant 0 : i32
      %dma_wait3A_557 = tpu.memref_slice %arg10[%run_scoped3A_168, %dma_wait3A_556] : memref<16x64xf32, #tpu.memory_space<vmem>> -> memref<1x64xf32, #tpu.memory_space<vmem>>
      %dma_wait3A_558 = tpu.memref_squeeze %dma_wait3A_557 : memref<1x64xf32, #tpu.memory_space<vmem>> -> memref<64xf32, #tpu.memory_space<vmem>>
      %dma_wait3A_559 = tpu.memref_slice %arg13[%run_scoped3A_167, %mul3A_166] : memref<16x1024xf32, #tpu.memory_space<vmem_shared>> -> memref<1x64xf32, #tpu.memory_space<vmem_shared>>
      %dma_wait3A_560 = tpu.memref_squeeze %dma_wait3A_559 : memref<1x64xf32, #tpu.memory_space<vmem_shared>> -> memref<64xf32, #tpu.memory_space<vmem_shared>>
      %dma_wait3A_561 = arith.constant 0 : i32
      %dma_wait3A_562 = tpu.memref_slice %arg10[%run_scoped3A_168, %dma_wait3A_561] : memref<16x64xf32, #tpu.memory_space<vmem>> -> memref<1x64xf32, #tpu.memory_space<vmem>>
      %dma_wait3A_563 = tpu.memref_squeeze %dma_wait3A_562 : memref<1x64xf32, #tpu.memory_space<vmem>> -> memref<64xf32, #tpu.memory_space<vmem>>
      %dma_wait3A_564 = tpu.memref_slice %arg13[%run_scoped3A_167, %mul3A_166] : memref<16x1024xf32, #tpu.memory_space<vmem_shared>> -> memref<1x64xf32, #tpu.memory_space<vmem_shared>>
      %dma_wait3A_565 = tpu.memref_squeeze %dma_wait3A_564 : memref<1x64xf32, #tpu.memory_space<vmem_shared>> -> memref<64xf32, #tpu.memory_space<vmem_shared>>
      tpu.wait_dma2 semaphore(%run_scoped3A_545 : memref<!tpu.dma_semaphore, #tpu.memory_space<semaphore_mem>>) src(%dma_wait3A_565 : memref<64xf32, #tpu.memory_space<vmem_shared>>) dst(%dma_wait3A_563 : memref<64xf32, #tpu.memory_space<vmem>>)
      tpu.yield
    }) : () -> ()
    %mul3A_169 = arith.constant 64 : i32
    %mul3A_170 = arith.muli %arg1, %mul3A_169 : i32
    %run_scoped3A_171 = arith.constant 5 : i32
    %run_scoped3A_172 = arith.constant 5 : i32
    "tpu.region"() ({
      %run_scoped3A_545 = tpu.sem_alloc : memref<!tpu.dma_semaphore, #tpu.memory_space<semaphore_mem>>
      %dma_start3A_546 = arith.constant 0 : i32
      %dma_start3A_547 = tpu.memref_slice %arg10[%run_scoped3A_172, %dma_start3A_546] : memref<16x64xf32, #tpu.memory_space<vmem>> -> memref<1x64xf32, #tpu.memory_space<vmem>>
      %dma_start3A_548 = tpu.memref_squeeze %dma_start3A_547 : memref<1x64xf32, #tpu.memory_space<vmem>> -> memref<64xf32, #tpu.memory_space<vmem>>
      %dma_start3A_549 = tpu.memref_slice %arg13[%run_scoped3A_171, %mul3A_170] : memref<16x1024xf32, #tpu.memory_space<vmem_shared>> -> memref<1x64xf32, #tpu.memory_space<vmem_shared>>
      %dma_start3A_550 = tpu.memref_squeeze %dma_start3A_549 : memref<1x64xf32, #tpu.memory_space<vmem_shared>> -> memref<64xf32, #tpu.memory_space<vmem_shared>>
      %dma_start3A_551 = arith.constant 0 : i32
      %dma_start3A_552 = tpu.memref_slice %arg10[%run_scoped3A_172, %dma_start3A_551] : memref<16x64xf32, #tpu.memory_space<vmem>> -> memref<1x64xf32, #tpu.memory_space<vmem>>
      %dma_start3A_553 = tpu.memref_squeeze %dma_start3A_552 : memref<1x64xf32, #tpu.memory_space<vmem>> -> memref<64xf32, #tpu.memory_space<vmem>>
      %dma_start3A_554 = tpu.memref_slice %arg13[%run_scoped3A_171, %mul3A_170] : memref<16x1024xf32, #tpu.memory_space<vmem_shared>> -> memref<1x64xf32, #tpu.memory_space<vmem_shared>>
      %dma_start3A_555 = tpu.memref_squeeze %dma_start3A_554 : memref<1x64xf32, #tpu.memory_space<vmem_shared>> -> memref<64xf32, #tpu.memory_space<vmem_shared>>
      tpu.enqueue_dma source(%dma_start3A_555 : memref<64xf32, #tpu.memory_space<vmem_shared>>) target(%dma_start3A_553 : memref<64xf32, #tpu.memory_space<vmem>>) target_semaphore(%run_scoped3A_545 : memref<!tpu.dma_semaphore, #tpu.memory_space<semaphore_mem>>)
      %dma_wait3A_556 = arith.constant 0 : i32
      %dma_wait3A_557 = tpu.memref_slice %arg10[%run_scoped3A_172, %dma_wait3A_556] : memref<16x64xf32, #tpu.memory_space<vmem>> -> memref<1x64xf32, #tpu.memory_space<vmem>>
      %dma_wait3A_558 = tpu.memref_squeeze %dma_wait3A_557 : memref<1x64xf32, #tpu.memory_space<vmem>> -> memref<64xf32, #tpu.memory_space<vmem>>
      %dma_wait3A_559 = tpu.memref_slice %arg13[%run_scoped3A_171, %mul3A_170] : memref<16x1024xf32, #tpu.memory_space<vmem_shared>> -> memref<1x64xf32, #tpu.memory_space<vmem_shared>>
      %dma_wait3A_560 = tpu.memref_squeeze %dma_wait3A_559 : memref<1x64xf32, #tpu.memory_space<vmem_shared>> -> memref<64xf32, #tpu.memory_space<vmem_shared>>
      %dma_wait3A_561 = arith.constant 0 : i32
      %dma_wait3A_562 = tpu.memref_slice %arg10[%run_scoped3A_172, %dma_wait3A_561] : memref<16x64xf32, #tpu.memory_space<vmem>> -> memref<1x64xf32, #tpu.memory_space<vmem>>
      %dma_wait3A_563 = tpu.memref_squeeze %dma_wait3A_562 : memref<1x64xf32, #tpu.memory_space<vmem>> -> memref<64xf32, #tpu.memory_space<vmem>>
      %dma_wait3A_564 = tpu.memref_slice %arg13[%run_scoped3A_171, %mul3A_170] : memref<16x1024xf32, #tpu.memory_space<vmem_shared>> -> memref<1x64xf32, #tpu.memory_space<vmem_shared>>
      %dma_wait3A_565 = tpu.memref_squeeze %dma_wait3A_564 : memref<1x64xf32, #tpu.memory_space<vmem_shared>> -> memref<64xf32, #tpu.memory_space<vmem_shared>>
      tpu.wait_dma2 semaphore(%run_scoped3A_545 : memref<!tpu.dma_semaphore, #tpu.memory_space<semaphore_mem>>) src(%dma_wait3A_565 : memref<64xf32, #tpu.memory_space<vmem_shared>>) dst(%dma_wait3A_563 : memref<64xf32, #tpu.memory_space<vmem>>)
      tpu.yield
    }) : () -> ()
    %mul3A_173 = arith.constant 64 : i32
    %mul3A_174 = arith.muli %arg1, %mul3A_173 : i32
    %run_scoped3A_175 = arith.constant 6 : i32
    %run_scoped3A_176 = arith.constant 6 : i32
    "tpu.region"() ({
      %run_scoped3A_545 = tpu.sem_alloc : memref<!tpu.dma_semaphore, #tpu.memory_space<semaphore_mem>>
      %dma_start3A_546 = arith.constant 0 : i32
      %dma_start3A_547 = tpu.memref_slice %arg10[%run_scoped3A_176, %dma_start3A_546] : memref<16x64xf32, #tpu.memory_space<vmem>> -> memref<1x64xf32, #tpu.memory_space<vmem>>
      %dma_start3A_548 = tpu.memref_squeeze %dma_start3A_547 : memref<1x64xf32, #tpu.memory_space<vmem>> -> memref<64xf32, #tpu.memory_space<vmem>>
      %dma_start3A_549 = tpu.memref_slice %arg13[%run_scoped3A_175, %mul3A_174] : memref<16x1024xf32, #tpu.memory_space<vmem_shared>> -> memref<1x64xf32, #tpu.memory_space<vmem_shared>>
      %dma_start3A_550 = tpu.memref_squeeze %dma_start3A_549 : memref<1x64xf32, #tpu.memory_space<vmem_shared>> -> memref<64xf32, #tpu.memory_space<vmem_shared>>
      %dma_start3A_551 = arith.constant 0 : i32
      %dma_start3A_552 = tpu.memref_slice %arg10[%run_scoped3A_176, %dma_start3A_551] : memref<16x64xf32, #tpu.memory_space<vmem>> -> memref<1x64xf32, #tpu.memory_space<vmem>>
      %dma_start3A_553 = tpu.memref_squeeze %dma_start3A_552 : memref<1x64xf32, #tpu.memory_space<vmem>> -> memref<64xf32, #tpu.memory_space<vmem>>
      %dma_start3A_554 = tpu.memref_slice %arg13[%run_scoped3A_175, %mul3A_174] : memref<16x1024xf32, #tpu.memory_space<vmem_shared>> -> memref<1x64xf32, #tpu.memory_space<vmem_shared>>
      %dma_start3A_555 = tpu.memref_squeeze %dma_start3A_554 : memref<1x64xf32, #tpu.memory_space<vmem_shared>> -> memref<64xf32, #tpu.memory_space<vmem_shared>>
      tpu.enqueue_dma source(%dma_start3A_555 : memref<64xf32, #tpu.memory_space<vmem_shared>>) target(%dma_start3A_553 : memref<64xf32, #tpu.memory_space<vmem>>) target_semaphore(%run_scoped3A_545 : memref<!tpu.dma_semaphore, #tpu.memory_space<semaphore_mem>>)
      %dma_wait3A_556 = arith.constant 0 : i32
      %dma_wait3A_557 = tpu.memref_slice %arg10[%run_scoped3A_176, %dma_wait3A_556] : memref<16x64xf32, #tpu.memory_space<vmem>> -> memref<1x64xf32, #tpu.memory_space<vmem>>
      %dma_wait3A_558 = tpu.memref_squeeze %dma_wait3A_557 : memref<1x64xf32, #tpu.memory_space<vmem>> -> memref<64xf32, #tpu.memory_space<vmem>>
      %dma_wait3A_559 = tpu.memref_slice %arg13[%run_scoped3A_175, %mul3A_174] : memref<16x1024xf32, #tpu.memory_space<vmem_shared>> -> memref<1x64xf32, #tpu.memory_space<vmem_shared>>
      %dma_wait3A_560 = tpu.memref_squeeze %dma_wait3A_559 : memref<1x64xf32, #tpu.memory_space<vmem_shared>> -> memref<64xf32, #tpu.memory_space<vmem_shared>>
      %dma_wait3A_561 = arith.constant 0 : i32
      %dma_wait3A_562 = tpu.memref_slice %arg10[%run_scoped3A_176, %dma_wait3A_561] : memref<16x64xf32, #tpu.memory_space<vmem>> -> memref<1x64xf32, #tpu.memory_space<vmem>>
      %dma_wait3A_563 = tpu.memref_squeeze %dma_wait3A_562 : memref<1x64xf32, #tpu.memory_space<vmem>> -> memref<64xf32, #tpu.memory_space<vmem>>
      %dma_wait3A_564 = tpu.memref_slice %arg13[%run_scoped3A_175, %mul3A_174] : memref<16x1024xf32, #tpu.memory_space<vmem_shared>> -> memref<1x64xf32, #tpu.memory_space<vmem_shared>>
      %dma_wait3A_565 = tpu.memref_squeeze %dma_wait3A_564 : memref<1x64xf32, #tpu.memory_space<vmem_shared>> -> memref<64xf32, #tpu.memory_space<vmem_shared>>
      tpu.wait_dma2 semaphore(%run_scoped3A_545 : memref<!tpu.dma_semaphore, #tpu.memory_space<semaphore_mem>>) src(%dma_wait3A_565 : memref<64xf32, #tpu.memory_space<vmem_shared>>) dst(%dma_wait3A_563 : memref<64xf32, #tpu.memory_space<vmem>>)
      tpu.yield
    }) : () -> ()
    %mul3A_177 = arith.constant 64 : i32
    %mul3A_178 = arith.muli %arg1, %mul3A_177 : i32
    %run_scoped3A_179 = arith.constant 7 : i32
    %run_scoped3A_180 = arith.constant 7 : i32
    "tpu.region"() ({
      %run_scoped3A_545 = tpu.sem_alloc : memref<!tpu.dma_semaphore, #tpu.memory_space<semaphore_mem>>
      %dma_start3A_546 = arith.constant 0 : i32
      %dma_start3A_547 = tpu.memref_slice %arg10[%run_scoped3A_180, %dma_start3A_546] : memref<16x64xf32, #tpu.memory_space<vmem>> -> memref<1x64xf32, #tpu.memory_space<vmem>>
      %dma_start3A_548 = tpu.memref_squeeze %dma_start3A_547 : memref<1x64xf32, #tpu.memory_space<vmem>> -> memref<64xf32, #tpu.memory_space<vmem>>
      %dma_start3A_549 = tpu.memref_slice %arg13[%run_scoped3A_179, %mul3A_178] : memref<16x1024xf32, #tpu.memory_space<vmem_shared>> -> memref<1x64xf32, #tpu.memory_space<vmem_shared>>
      %dma_start3A_550 = tpu.memref_squeeze %dma_start3A_549 : memref<1x64xf32, #tpu.memory_space<vmem_shared>> -> memref<64xf32, #tpu.memory_space<vmem_shared>>
      %dma_start3A_551 = arith.constant 0 : i32
      %dma_start3A_552 = tpu.memref_slice %arg10[%run_scoped3A_180, %dma_start3A_551] : memref<16x64xf32, #tpu.memory_space<vmem>> -> memref<1x64xf32, #tpu.memory_space<vmem>>
      %dma_start3A_553 = tpu.memref_squeeze %dma_start3A_552 : memref<1x64xf32, #tpu.memory_space<vmem>> -> memref<64xf32, #tpu.memory_space<vmem>>
      %dma_start3A_554 = tpu.memref_slice %arg13[%run_scoped3A_179, %mul3A_178] : memref<16x1024xf32, #tpu.memory_space<vmem_shared>> -> memref<1x64xf32, #tpu.memory_space<vmem_shared>>
      %dma_start3A_555 = tpu.memref_squeeze %dma_start3A_554 : memref<1x64xf32, #tpu.memory_space<vmem_shared>> -> memref<64xf32, #tpu.memory_space<vmem_shared>>
      tpu.enqueue_dma source(%dma_start3A_555 : memref<64xf32, #tpu.memory_space<vmem_shared>>) target(%dma_start3A_553 : memref<64xf32, #tpu.memory_space<vmem>>) target_semaphore(%run_scoped3A_545 : memref<!tpu.dma_semaphore, #tpu.memory_space<semaphore_mem>>)
      %dma_wait3A_556 = arith.constant 0 : i32
      %dma_wait3A_557 = tpu.memref_slice %arg10[%run_scoped3A_180, %dma_wait3A_556] : memref<16x64xf32, #tpu.memory_space<vmem>> -> memref<1x64xf32, #tpu.memory_space<vmem>>
      %dma_wait3A_558 = tpu.memref_squeeze %dma_wait3A_557 : memref<1x64xf32, #tpu.memory_space<vmem>> -> memref<64xf32, #tpu.memory_space<vmem>>
      %dma_wait3A_559 = tpu.memref_slice %arg13[%run_scoped3A_179, %mul3A_178] : memref<16x1024xf32, #tpu.memory_space<vmem_shared>> -> memref<1x64xf32, #tpu.memory_space<vmem_shared>>
      %dma_wait3A_560 = tpu.memref_squeeze %dma_wait3A_559 : memref<1x64xf32, #tpu.memory_space<vmem_shared>> -> memref<64xf32, #tpu.memory_space<vmem_shared>>
      %dma_wait3A_561 = arith.constant 0 : i32
      %dma_wait3A_562 = tpu.memref_slice %arg10[%run_scoped3A_180, %dma_wait3A_561] : memref<16x64xf32, #tpu.memory_space<vmem>> -> memref<1x64xf32, #tpu.memory_space<vmem>>
      %dma_wait3A_563 = tpu.memref_squeeze %dma_wait3A_562 : memref<1x64xf32, #tpu.memory_space<vmem>> -> memref<64xf32, #tpu.memory_space<vmem>>
      %dma_wait3A_564 = tpu.memref_slice %arg13[%run_scoped3A_179, %mul3A_178] : memref<16x1024xf32, #tpu.memory_space<vmem_shared>> -> memref<1x64xf32, #tpu.memory_space<vmem_shared>>
      %dma_wait3A_565 = tpu.memref_squeeze %dma_wait3A_564 : memref<1x64xf32, #tpu.memory_space<vmem_shared>> -> memref<64xf32, #tpu.memory_space<vmem_shared>>
      tpu.wait_dma2 semaphore(%run_scoped3A_545 : memref<!tpu.dma_semaphore, #tpu.memory_space<semaphore_mem>>) src(%dma_wait3A_565 : memref<64xf32, #tpu.memory_space<vmem_shared>>) dst(%dma_wait3A_563 : memref<64xf32, #tpu.memory_space<vmem>>)
      tpu.yield
    }) : () -> ()
    %mul3A_181 = arith.constant 64 : i32
    %mul3A_182 = arith.muli %arg1, %mul3A_181 : i32
    %run_scoped3A_183 = arith.constant 8 : i32
    %run_scoped3A_184 = arith.constant 8 : i32
    "tpu.region"() ({
      %run_scoped3A_545 = tpu.sem_alloc : memref<!tpu.dma_semaphore, #tpu.memory_space<semaphore_mem>>
      %dma_start3A_546 = arith.constant 0 : i32
      %dma_start3A_547 = tpu.memref_slice %arg10[%run_scoped3A_184, %dma_start3A_546] : memref<16x64xf32, #tpu.memory_space<vmem>> -> memref<1x64xf32, #tpu.memory_space<vmem>>
      %dma_start3A_548 = tpu.memref_squeeze %dma_start3A_547 : memref<1x64xf32, #tpu.memory_space<vmem>> -> memref<64xf32, #tpu.memory_space<vmem>>
      %dma_start3A_549 = tpu.memref_slice %arg13[%run_scoped3A_183, %mul3A_182] : memref<16x1024xf32, #tpu.memory_space<vmem_shared>> -> memref<1x64xf32, #tpu.memory_space<vmem_shared>>
      %dma_start3A_550 = tpu.memref_squeeze %dma_start3A_549 : memref<1x64xf32, #tpu.memory_space<vmem_shared>> -> memref<64xf32, #tpu.memory_space<vmem_shared>>
      %dma_start3A_551 = arith.constant 0 : i32
      %dma_start3A_552 = tpu.memref_slice %arg10[%run_scoped3A_184, %dma_start3A_551] : memref<16x64xf32, #tpu.memory_space<vmem>> -> memref<1x64xf32, #tpu.memory_space<vmem>>
      %dma_start3A_553 = tpu.memref_squeeze %dma_start3A_552 : memref<1x64xf32, #tpu.memory_space<vmem>> -> memref<64xf32, #tpu.memory_space<vmem>>
      %dma_start3A_554 = tpu.memref_slice %arg13[%run_scoped3A_183, %mul3A_182] : memref<16x1024xf32, #tpu.memory_space<vmem_shared>> -> memref<1x64xf32, #tpu.memory_space<vmem_shared>>
      %dma_start3A_555 = tpu.memref_squeeze %dma_start3A_554 : memref<1x64xf32, #tpu.memory_space<vmem_shared>> -> memref<64xf32, #tpu.memory_space<vmem_shared>>
      tpu.enqueue_dma source(%dma_start3A_555 : memref<64xf32, #tpu.memory_space<vmem_shared>>) target(%dma_start3A_553 : memref<64xf32, #tpu.memory_space<vmem>>) target_semaphore(%run_scoped3A_545 : memref<!tpu.dma_semaphore, #tpu.memory_space<semaphore_mem>>)
      %dma_wait3A_556 = arith.constant 0 : i32
      %dma_wait3A_557 = tpu.memref_slice %arg10[%run_scoped3A_184, %dma_wait3A_556] : memref<16x64xf32, #tpu.memory_space<vmem>> -> memref<1x64xf32, #tpu.memory_space<vmem>>
      %dma_wait3A_558 = tpu.memref_squeeze %dma_wait3A_557 : memref<1x64xf32, #tpu.memory_space<vmem>> -> memref<64xf32, #tpu.memory_space<vmem>>
      %dma_wait3A_559 = tpu.memref_slice %arg13[%run_scoped3A_183, %mul3A_182] : memref<16x1024xf32, #tpu.memory_space<vmem_shared>> -> memref<1x64xf32, #tpu.memory_space<vmem_shared>>
      %dma_wait3A_560 = tpu.memref_squeeze %dma_wait3A_559 : memref<1x64xf32, #tpu.memory_space<vmem_shared>> -> memref<64xf32, #tpu.memory_space<vmem_shared>>
      %dma_wait3A_561 = arith.constant 0 : i32
      %dma_wait3A_562 = tpu.memref_slice %arg10[%run_scoped3A_184, %dma_wait3A_561] : memref<16x64xf32, #tpu.memory_space<vmem>> -> memref<1x64xf32, #tpu.memory_space<vmem>>
      %dma_wait3A_563 = tpu.memref_squeeze %dma_wait3A_562 : memref<1x64xf32, #tpu.memory_space<vmem>> -> memref<64xf32, #tpu.memory_space<vmem>>
      %dma_wait3A_564 = tpu.memref_slice %arg13[%run_scoped3A_183, %mul3A_182] : memref<16x1024xf32, #tpu.memory_space<vmem_shared>> -> memref<1x64xf32, #tpu.memory_space<vmem_shared>>
      %dma_wait3A_565 = tpu.memref_squeeze %dma_wait3A_564 : memref<1x64xf32, #tpu.memory_space<vmem_shared>> -> memref<64xf32, #tpu.memory_space<vmem_shared>>
      tpu.wait_dma2 semaphore(%run_scoped3A_545 : memref<!tpu.dma_semaphore, #tpu.memory_space<semaphore_mem>>) src(%dma_wait3A_565 : memref<64xf32, #tpu.memory_space<vmem_shared>>) dst(%dma_wait3A_563 : memref<64xf32, #tpu.memory_space<vmem>>)
      tpu.yield
    }) : () -> ()
    %mul3A_185 = arith.constant 64 : i32
    %mul3A_186 = arith.muli %arg1, %mul3A_185 : i32
    %run_scoped3A_187 = arith.constant 9 : i32
    %run_scoped3A_188 = arith.constant 9 : i32
    "tpu.region"() ({
      %run_scoped3A_545 = tpu.sem_alloc : memref<!tpu.dma_semaphore, #tpu.memory_space<semaphore_mem>>
      %dma_start3A_546 = arith.constant 0 : i32
      %dma_start3A_547 = tpu.memref_slice %arg10[%run_scoped3A_188, %dma_start3A_546] : memref<16x64xf32, #tpu.memory_space<vmem>> -> memref<1x64xf32, #tpu.memory_space<vmem>>
      %dma_start3A_548 = tpu.memref_squeeze %dma_start3A_547 : memref<1x64xf32, #tpu.memory_space<vmem>> -> memref<64xf32, #tpu.memory_space<vmem>>
      %dma_start3A_549 = tpu.memref_slice %arg13[%run_scoped3A_187, %mul3A_186] : memref<16x1024xf32, #tpu.memory_space<vmem_shared>> -> memref<1x64xf32, #tpu.memory_space<vmem_shared>>
      %dma_start3A_550 = tpu.memref_squeeze %dma_start3A_549 : memref<1x64xf32, #tpu.memory_space<vmem_shared>> -> memref<64xf32, #tpu.memory_space<vmem_shared>>
      %dma_start3A_551 = arith.constant 0 : i32
      %dma_start3A_552 = tpu.memref_slice %arg10[%run_scoped3A_188, %dma_start3A_551] : memref<16x64xf32, #tpu.memory_space<vmem>> -> memref<1x64xf32, #tpu.memory_space<vmem>>
      %dma_start3A_553 = tpu.memref_squeeze %dma_start3A_552 : memref<1x64xf32, #tpu.memory_space<vmem>> -> memref<64xf32, #tpu.memory_space<vmem>>
      %dma_start3A_554 = tpu.memref_slice %arg13[%run_scoped3A_187, %mul3A_186] : memref<16x1024xf32, #tpu.memory_space<vmem_shared>> -> memref<1x64xf32, #tpu.memory_space<vmem_shared>>
      %dma_start3A_555 = tpu.memref_squeeze %dma_start3A_554 : memref<1x64xf32, #tpu.memory_space<vmem_shared>> -> memref<64xf32, #tpu.memory_space<vmem_shared>>
      tpu.enqueue_dma source(%dma_start3A_555 : memref<64xf32, #tpu.memory_space<vmem_shared>>) target(%dma_start3A_553 : memref<64xf32, #tpu.memory_space<vmem>>) target_semaphore(%run_scoped3A_545 : memref<!tpu.dma_semaphore, #tpu.memory_space<semaphore_mem>>)
      %dma_wait3A_556 = arith.constant 0 : i32
      %dma_wait3A_557 = tpu.memref_slice %arg10[%run_scoped3A_188, %dma_wait3A_556] : memref<16x64xf32, #tpu.memory_space<vmem>> -> memref<1x64xf32, #tpu.memory_space<vmem>>
      %dma_wait3A_558 = tpu.memref_squeeze %dma_wait3A_557 : memref<1x64xf32, #tpu.memory_space<vmem>> -> memref<64xf32, #tpu.memory_space<vmem>>
      %dma_wait3A_559 = tpu.memref_slice %arg13[%run_scoped3A_187, %mul3A_186] : memref<16x1024xf32, #tpu.memory_space<vmem_shared>> -> memref<1x64xf32, #tpu.memory_space<vmem_shared>>
      %dma_wait3A_560 = tpu.memref_squeeze %dma_wait3A_559 : memref<1x64xf32, #tpu.memory_space<vmem_shared>> -> memref<64xf32, #tpu.memory_space<vmem_shared>>
      %dma_wait3A_561 = arith.constant 0 : i32
      %dma_wait3A_562 = tpu.memref_slice %arg10[%run_scoped3A_188, %dma_wait3A_561] : memref<16x64xf32, #tpu.memory_space<vmem>> -> memref<1x64xf32, #tpu.memory_space<vmem>>
      %dma_wait3A_563 = tpu.memref_squeeze %dma_wait3A_562 : memref<1x64xf32, #tpu.memory_space<vmem>> -> memref<64xf32, #tpu.memory_space<vmem>>
      %dma_wait3A_564 = tpu.memref_slice %arg13[%run_scoped3A_187, %mul3A_186] : memref<16x1024xf32, #tpu.memory_space<vmem_shared>> -> memref<1x64xf32, #tpu.memory_space<vmem_shared>>
      %dma_wait3A_565 = tpu.memref_squeeze %dma_wait3A_564 : memref<1x64xf32, #tpu.memory_space<vmem_shared>> -> memref<64xf32, #tpu.memory_space<vmem_shared>>
      tpu.wait_dma2 semaphore(%run_scoped3A_545 : memref<!tpu.dma_semaphore, #tpu.memory_space<semaphore_mem>>) src(%dma_wait3A_565 : memref<64xf32, #tpu.memory_space<vmem_shared>>) dst(%dma_wait3A_563 : memref<64xf32, #tpu.memory_space<vmem>>)
      tpu.yield
    }) : () -> ()
    %mul3A_189 = arith.constant 64 : i32
    %mul3A_190 = arith.muli %arg1, %mul3A_189 : i32
    %run_scoped3A_191 = arith.constant 10 : i32
    %run_scoped3A_192 = arith.constant 10 : i32
    "tpu.region"() ({
      %run_scoped3A_545 = tpu.sem_alloc : memref<!tpu.dma_semaphore, #tpu.memory_space<semaphore_mem>>
      %dma_start3A_546 = arith.constant 0 : i32
      %dma_start3A_547 = tpu.memref_slice %arg10[%run_scoped3A_192, %dma_start3A_546] : memref<16x64xf32, #tpu.memory_space<vmem>> -> memref<1x64xf32, #tpu.memory_space<vmem>>
      %dma_start3A_548 = tpu.memref_squeeze %dma_start3A_547 : memref<1x64xf32, #tpu.memory_space<vmem>> -> memref<64xf32, #tpu.memory_space<vmem>>
      %dma_start3A_549 = tpu.memref_slice %arg13[%run_scoped3A_191, %mul3A_190] : memref<16x1024xf32, #tpu.memory_space<vmem_shared>> -> memref<1x64xf32, #tpu.memory_space<vmem_shared>>
      %dma_start3A_550 = tpu.memref_squeeze %dma_start3A_549 : memref<1x64xf32, #tpu.memory_space<vmem_shared>> -> memref<64xf32, #tpu.memory_space<vmem_shared>>
      %dma_start3A_551 = arith.constant 0 : i32
      %dma_start3A_552 = tpu.memref_slice %arg10[%run_scoped3A_192, %dma_start3A_551] : memref<16x64xf32, #tpu.memory_space<vmem>> -> memref<1x64xf32, #tpu.memory_space<vmem>>
      %dma_start3A_553 = tpu.memref_squeeze %dma_start3A_552 : memref<1x64xf32, #tpu.memory_space<vmem>> -> memref<64xf32, #tpu.memory_space<vmem>>
      %dma_start3A_554 = tpu.memref_slice %arg13[%run_scoped3A_191, %mul3A_190] : memref<16x1024xf32, #tpu.memory_space<vmem_shared>> -> memref<1x64xf32, #tpu.memory_space<vmem_shared>>
      %dma_start3A_555 = tpu.memref_squeeze %dma_start3A_554 : memref<1x64xf32, #tpu.memory_space<vmem_shared>> -> memref<64xf32, #tpu.memory_space<vmem_shared>>
      tpu.enqueue_dma source(%dma_start3A_555 : memref<64xf32, #tpu.memory_space<vmem_shared>>) target(%dma_start3A_553 : memref<64xf32, #tpu.memory_space<vmem>>) target_semaphore(%run_scoped3A_545 : memref<!tpu.dma_semaphore, #tpu.memory_space<semaphore_mem>>)
      %dma_wait3A_556 = arith.constant 0 : i32
      %dma_wait3A_557 = tpu.memref_slice %arg10[%run_scoped3A_192, %dma_wait3A_556] : memref<16x64xf32, #tpu.memory_space<vmem>> -> memref<1x64xf32, #tpu.memory_space<vmem>>
      %dma_wait3A_558 = tpu.memref_squeeze %dma_wait3A_557 : memref<1x64xf32, #tpu.memory_space<vmem>> -> memref<64xf32, #tpu.memory_space<vmem>>
      %dma_wait3A_559 = tpu.memref_slice %arg13[%run_scoped3A_191, %mul3A_190] : memref<16x1024xf32, #tpu.memory_space<vmem_shared>> -> memref<1x64xf32, #tpu.memory_space<vmem_shared>>
      %dma_wait3A_560 = tpu.memref_squeeze %dma_wait3A_559 : memref<1x64xf32, #tpu.memory_space<vmem_shared>> -> memref<64xf32, #tpu.memory_space<vmem_shared>>
      %dma_wait3A_561 = arith.constant 0 : i32
      %dma_wait3A_562 = tpu.memref_slice %arg10[%run_scoped3A_192, %dma_wait3A_561] : memref<16x64xf32, #tpu.memory_space<vmem>> -> memref<1x64xf32, #tpu.memory_space<vmem>>
      %dma_wait3A_563 = tpu.memref_squeeze %dma_wait3A_562 : memref<1x64xf32, #tpu.memory_space<vmem>> -> memref<64xf32, #tpu.memory_space<vmem>>
      %dma_wait3A_564 = tpu.memref_slice %arg13[%run_scoped3A_191, %mul3A_190] : memref<16x1024xf32, #tpu.memory_space<vmem_shared>> -> memref<1x64xf32, #tpu.memory_space<vmem_shared>>
      %dma_wait3A_565 = tpu.memref_squeeze %dma_wait3A_564 : memref<1x64xf32, #tpu.memory_space<vmem_shared>> -> memref<64xf32, #tpu.memory_space<vmem_shared>>
      tpu.wait_dma2 semaphore(%run_scoped3A_545 : memref<!tpu.dma_semaphore, #tpu.memory_space<semaphore_mem>>) src(%dma_wait3A_565 : memref<64xf32, #tpu.memory_space<vmem_shared>>) dst(%dma_wait3A_563 : memref<64xf32, #tpu.memory_space<vmem>>)
      tpu.yield
    }) : () -> ()
    %mul3A_193 = arith.constant 64 : i32
    %mul3A_194 = arith.muli %arg1, %mul3A_193 : i32
    %run_scoped3A_195 = arith.constant 11 : i32
    %run_scoped3A_196 = arith.constant 11 : i32
    "tpu.region"() ({
      %run_scoped3A_545 = tpu.sem_alloc : memref<!tpu.dma_semaphore, #tpu.memory_space<semaphore_mem>>
      %dma_start3A_546 = arith.constant 0 : i32
      %dma_start3A_547 = tpu.memref_slice %arg10[%run_scoped3A_196, %dma_start3A_546] : memref<16x64xf32, #tpu.memory_space<vmem>> -> memref<1x64xf32, #tpu.memory_space<vmem>>
      %dma_start3A_548 = tpu.memref_squeeze %dma_start3A_547 : memref<1x64xf32, #tpu.memory_space<vmem>> -> memref<64xf32, #tpu.memory_space<vmem>>
      %dma_start3A_549 = tpu.memref_slice %arg13[%run_scoped3A_195, %mul3A_194] : memref<16x1024xf32, #tpu.memory_space<vmem_shared>> -> memref<1x64xf32, #tpu.memory_space<vmem_shared>>
      %dma_start3A_550 = tpu.memref_squeeze %dma_start3A_549 : memref<1x64xf32, #tpu.memory_space<vmem_shared>> -> memref<64xf32, #tpu.memory_space<vmem_shared>>
      %dma_start3A_551 = arith.constant 0 : i32
      %dma_start3A_552 = tpu.memref_slice %arg10[%run_scoped3A_196, %dma_start3A_551] : memref<16x64xf32, #tpu.memory_space<vmem>> -> memref<1x64xf32, #tpu.memory_space<vmem>>
      %dma_start3A_553 = tpu.memref_squeeze %dma_start3A_552 : memref<1x64xf32, #tpu.memory_space<vmem>> -> memref<64xf32, #tpu.memory_space<vmem>>
      %dma_start3A_554 = tpu.memref_slice %arg13[%run_scoped3A_195, %mul3A_194] : memref<16x1024xf32, #tpu.memory_space<vmem_shared>> -> memref<1x64xf32, #tpu.memory_space<vmem_shared>>
      %dma_start3A_555 = tpu.memref_squeeze %dma_start3A_554 : memref<1x64xf32, #tpu.memory_space<vmem_shared>> -> memref<64xf32, #tpu.memory_space<vmem_shared>>
      tpu.enqueue_dma source(%dma_start3A_555 : memref<64xf32, #tpu.memory_space<vmem_shared>>) target(%dma_start3A_553 : memref<64xf32, #tpu.memory_space<vmem>>) target_semaphore(%run_scoped3A_545 : memref<!tpu.dma_semaphore, #tpu.memory_space<semaphore_mem>>)
      %dma_wait3A_556 = arith.constant 0 : i32
      %dma_wait3A_557 = tpu.memref_slice %arg10[%run_scoped3A_196, %dma_wait3A_556] : memref<16x64xf32, #tpu.memory_space<vmem>> -> memref<1x64xf32, #tpu.memory_space<vmem>>
      %dma_wait3A_558 = tpu.memref_squeeze %dma_wait3A_557 : memref<1x64xf32, #tpu.memory_space<vmem>> -> memref<64xf32, #tpu.memory_space<vmem>>
      %dma_wait3A_559 = tpu.memref_slice %arg13[%run_scoped3A_195, %mul3A_194] : memref<16x1024xf32, #tpu.memory_space<vmem_shared>> -> memref<1x64xf32, #tpu.memory_space<vmem_shared>>
      %dma_wait3A_560 = tpu.memref_squeeze %dma_wait3A_559 : memref<1x64xf32, #tpu.memory_space<vmem_shared>> -> memref<64xf32, #tpu.memory_space<vmem_shared>>
      %dma_wait3A_561 = arith.constant 0 : i32
      %dma_wait3A_562 = tpu.memref_slice %arg10[%run_scoped3A_196, %dma_wait3A_561] : memref<16x64xf32, #tpu.memory_space<vmem>> -> memref<1x64xf32, #tpu.memory_space<vmem>>
      %dma_wait3A_563 = tpu.memref_squeeze %dma_wait3A_562 : memref<1x64xf32, #tpu.memory_space<vmem>> -> memref<64xf32, #tpu.memory_space<vmem>>
      %dma_wait3A_564 = tpu.memref_slice %arg13[%run_scoped3A_195, %mul3A_194] : memref<16x1024xf32, #tpu.memory_space<vmem_shared>> -> memref<1x64xf32, #tpu.memory_space<vmem_shared>>
      %dma_wait3A_565 = tpu.memref_squeeze %dma_wait3A_564 : memref<1x64xf32, #tpu.memory_space<vmem_shared>> -> memref<64xf32, #tpu.memory_space<vmem_shared>>
      tpu.wait_dma2 semaphore(%run_scoped3A_545 : memref<!tpu.dma_semaphore, #tpu.memory_space<semaphore_mem>>) src(%dma_wait3A_565 : memref<64xf32, #tpu.memory_space<vmem_shared>>) dst(%dma_wait3A_563 : memref<64xf32, #tpu.memory_space<vmem>>)
      tpu.yield
    }) : () -> ()
    %mul3A_197 = arith.constant 64 : i32
    %mul3A_198 = arith.muli %arg1, %mul3A_197 : i32
    %run_scoped3A_199 = arith.constant 12 : i32
    %run_scoped3A_200 = arith.constant 12 : i32
    "tpu.region"() ({
      %run_scoped3A_545 = tpu.sem_alloc : memref<!tpu.dma_semaphore, #tpu.memory_space<semaphore_mem>>
      %dma_start3A_546 = arith.constant 0 : i32
      %dma_start3A_547 = tpu.memref_slice %arg10[%run_scoped3A_200, %dma_start3A_546] : memref<16x64xf32, #tpu.memory_space<vmem>> -> memref<1x64xf32, #tpu.memory_space<vmem>>
      %dma_start3A_548 = tpu.memref_squeeze %dma_start3A_547 : memref<1x64xf32, #tpu.memory_space<vmem>> -> memref<64xf32, #tpu.memory_space<vmem>>
      %dma_start3A_549 = tpu.memref_slice %arg13[%run_scoped3A_199, %mul3A_198] : memref<16x1024xf32, #tpu.memory_space<vmem_shared>> -> memref<1x64xf32, #tpu.memory_space<vmem_shared>>
      %dma_start3A_550 = tpu.memref_squeeze %dma_start3A_549 : memref<1x64xf32, #tpu.memory_space<vmem_shared>> -> memref<64xf32, #tpu.memory_space<vmem_shared>>
      %dma_start3A_551 = arith.constant 0 : i32
      %dma_start3A_552 = tpu.memref_slice %arg10[%run_scoped3A_200, %dma_start3A_551] : memref<16x64xf32, #tpu.memory_space<vmem>> -> memref<1x64xf32, #tpu.memory_space<vmem>>
      %dma_start3A_553 = tpu.memref_squeeze %dma_start3A_552 : memref<1x64xf32, #tpu.memory_space<vmem>> -> memref<64xf32, #tpu.memory_space<vmem>>
      %dma_start3A_554 = tpu.memref_slice %arg13[%run_scoped3A_199, %mul3A_198] : memref<16x1024xf32, #tpu.memory_space<vmem_shared>> -> memref<1x64xf32, #tpu.memory_space<vmem_shared>>
      %dma_start3A_555 = tpu.memref_squeeze %dma_start3A_554 : memref<1x64xf32, #tpu.memory_space<vmem_shared>> -> memref<64xf32, #tpu.memory_space<vmem_shared>>
      tpu.enqueue_dma source(%dma_start3A_555 : memref<64xf32, #tpu.memory_space<vmem_shared>>) target(%dma_start3A_553 : memref<64xf32, #tpu.memory_space<vmem>>) target_semaphore(%run_scoped3A_545 : memref<!tpu.dma_semaphore, #tpu.memory_space<semaphore_mem>>)
      %dma_wait3A_556 = arith.constant 0 : i32
      %dma_wait3A_557 = tpu.memref_slice %arg10[%run_scoped3A_200, %dma_wait3A_556] : memref<16x64xf32, #tpu.memory_space<vmem>> -> memref<1x64xf32, #tpu.memory_space<vmem>>
      %dma_wait3A_558 = tpu.memref_squeeze %dma_wait3A_557 : memref<1x64xf32, #tpu.memory_space<vmem>> -> memref<64xf32, #tpu.memory_space<vmem>>
      %dma_wait3A_559 = tpu.memref_slice %arg13[%run_scoped3A_199, %mul3A_198] : memref<16x1024xf32, #tpu.memory_space<vmem_shared>> -> memref<1x64xf32, #tpu.memory_space<vmem_shared>>
      %dma_wait3A_560 = tpu.memref_squeeze %dma_wait3A_559 : memref<1x64xf32, #tpu.memory_space<vmem_shared>> -> memref<64xf32, #tpu.memory_space<vmem_shared>>
      %dma_wait3A_561 = arith.constant 0 : i32
      %dma_wait3A_562 = tpu.memref_slice %arg10[%run_scoped3A_200, %dma_wait3A_561] : memref<16x64xf32, #tpu.memory_space<vmem>> -> memref<1x64xf32, #tpu.memory_space<vmem>>
      %dma_wait3A_563 = tpu.memref_squeeze %dma_wait3A_562 : memref<1x64xf32, #tpu.memory_space<vmem>> -> memref<64xf32, #tpu.memory_space<vmem>>
      %dma_wait3A_564 = tpu.memref_slice %arg13[%run_scoped3A_199, %mul3A_198] : memref<16x1024xf32, #tpu.memory_space<vmem_shared>> -> memref<1x64xf32, #tpu.memory_space<vmem_shared>>
      %dma_wait3A_565 = tpu.memref_squeeze %dma_wait3A_564 : memref<1x64xf32, #tpu.memory_space<vmem_shared>> -> memref<64xf32, #tpu.memory_space<vmem_shared>>
      tpu.wait_dma2 semaphore(%run_scoped3A_545 : memref<!tpu.dma_semaphore, #tpu.memory_space<semaphore_mem>>) src(%dma_wait3A_565 : memref<64xf32, #tpu.memory_space<vmem_shared>>) dst(%dma_wait3A_563 : memref<64xf32, #tpu.memory_space<vmem>>)
      tpu.yield
    }) : () -> ()
    %mul3A_201 = arith.constant 64 : i32
    %mul3A_202 = arith.muli %arg1, %mul3A_201 : i32
    %run_scoped3A_203 = arith.constant 13 : i32
    %run_scoped3A_204 = arith.constant 13 : i32
    "tpu.region"() ({
      %run_scoped3A_545 = tpu.sem_alloc : memref<!tpu.dma_semaphore, #tpu.memory_space<semaphore_mem>>
      %dma_start3A_546 = arith.constant 0 : i32
      %dma_start3A_547 = tpu.memref_slice %arg10[%run_scoped3A_204, %dma_start3A_546] : memref<16x64xf32, #tpu.memory_space<vmem>> -> memref<1x64xf32, #tpu.memory_space<vmem>>
      %dma_start3A_548 = tpu.memref_squeeze %dma_start3A_547 : memref<1x64xf32, #tpu.memory_space<vmem>> -> memref<64xf32, #tpu.memory_space<vmem>>
      %dma_start3A_549 = tpu.memref_slice %arg13[%run_scoped3A_203, %mul3A_202] : memref<16x1024xf32, #tpu.memory_space<vmem_shared>> -> memref<1x64xf32, #tpu.memory_space<vmem_shared>>
      %dma_start3A_550 = tpu.memref_squeeze %dma_start3A_549 : memref<1x64xf32, #tpu.memory_space<vmem_shared>> -> memref<64xf32, #tpu.memory_space<vmem_shared>>
      %dma_start3A_551 = arith.constant 0 : i32
      %dma_start3A_552 = tpu.memref_slice %arg10[%run_scoped3A_204, %dma_start3A_551] : memref<16x64xf32, #tpu.memory_space<vmem>> -> memref<1x64xf32, #tpu.memory_space<vmem>>
      %dma_start3A_553 = tpu.memref_squeeze %dma_start3A_552 : memref<1x64xf32, #tpu.memory_space<vmem>> -> memref<64xf32, #tpu.memory_space<vmem>>
      %dma_start3A_554 = tpu.memref_slice %arg13[%run_scoped3A_203, %mul3A_202] : memref<16x1024xf32, #tpu.memory_space<vmem_shared>> -> memref<1x64xf32, #tpu.memory_space<vmem_shared>>
      %dma_start3A_555 = tpu.memref_squeeze %dma_start3A_554 : memref<1x64xf32, #tpu.memory_space<vmem_shared>> -> memref<64xf32, #tpu.memory_space<vmem_shared>>
      tpu.enqueue_dma source(%dma_start3A_555 : memref<64xf32, #tpu.memory_space<vmem_shared>>) target(%dma_start3A_553 : memref<64xf32, #tpu.memory_space<vmem>>) target_semaphore(%run_scoped3A_545 : memref<!tpu.dma_semaphore, #tpu.memory_space<semaphore_mem>>)
      %dma_wait3A_556 = arith.constant 0 : i32
      %dma_wait3A_557 = tpu.memref_slice %arg10[%run_scoped3A_204, %dma_wait3A_556] : memref<16x64xf32, #tpu.memory_space<vmem>> -> memref<1x64xf32, #tpu.memory_space<vmem>>
      %dma_wait3A_558 = tpu.memref_squeeze %dma_wait3A_557 : memref<1x64xf32, #tpu.memory_space<vmem>> -> memref<64xf32, #tpu.memory_space<vmem>>
      %dma_wait3A_559 = tpu.memref_slice %arg13[%run_scoped3A_203, %mul3A_202] : memref<16x1024xf32, #tpu.memory_space<vmem_shared>> -> memref<1x64xf32, #tpu.memory_space<vmem_shared>>
      %dma_wait3A_560 = tpu.memref_squeeze %dma_wait3A_559 : memref<1x64xf32, #tpu.memory_space<vmem_shared>> -> memref<64xf32, #tpu.memory_space<vmem_shared>>
      %dma_wait3A_561 = arith.constant 0 : i32
      %dma_wait3A_562 = tpu.memref_slice %arg10[%run_scoped3A_204, %dma_wait3A_561] : memref<16x64xf32, #tpu.memory_space<vmem>> -> memref<1x64xf32, #tpu.memory_space<vmem>>
      %dma_wait3A_563 = tpu.memref_squeeze %dma_wait3A_562 : memref<1x64xf32, #tpu.memory_space<vmem>> -> memref<64xf32, #tpu.memory_space<vmem>>
      %dma_wait3A_564 = tpu.memref_slice %arg13[%run_scoped3A_203, %mul3A_202] : memref<16x1024xf32, #tpu.memory_space<vmem_shared>> -> memref<1x64xf32, #tpu.memory_space<vmem_shared>>
      %dma_wait3A_565 = tpu.memref_squeeze %dma_wait3A_564 : memref<1x64xf32, #tpu.memory_space<vmem_shared>> -> memref<64xf32, #tpu.memory_space<vmem_shared>>
      tpu.wait_dma2 semaphore(%run_scoped3A_545 : memref<!tpu.dma_semaphore, #tpu.memory_space<semaphore_mem>>) src(%dma_wait3A_565 : memref<64xf32, #tpu.memory_space<vmem_shared>>) dst(%dma_wait3A_563 : memref<64xf32, #tpu.memory_space<vmem>>)
      tpu.yield
    }) : () -> ()
    %mul3A_205 = arith.constant 64 : i32
    %mul3A_206 = arith.muli %arg1, %mul3A_205 : i32
    %run_scoped3A_207 = arith.constant 14 : i32
    %run_scoped3A_208 = arith.constant 14 : i32
    "tpu.region"() ({
      %run_scoped3A_545 = tpu.sem_alloc : memref<!tpu.dma_semaphore, #tpu.memory_space<semaphore_mem>>
      %dma_start3A_546 = arith.constant 0 : i32
      %dma_start3A_547 = tpu.memref_slice %arg10[%run_scoped3A_208, %dma_start3A_546] : memref<16x64xf32, #tpu.memory_space<vmem>> -> memref<1x64xf32, #tpu.memory_space<vmem>>
      %dma_start3A_548 = tpu.memref_squeeze %dma_start3A_547 : memref<1x64xf32, #tpu.memory_space<vmem>> -> memref<64xf32, #tpu.memory_space<vmem>>
      %dma_start3A_549 = tpu.memref_slice %arg13[%run_scoped3A_207, %mul3A_206] : memref<16x1024xf32, #tpu.memory_space<vmem_shared>> -> memref<1x64xf32, #tpu.memory_space<vmem_shared>>
      %dma_start3A_550 = tpu.memref_squeeze %dma_start3A_549 : memref<1x64xf32, #tpu.memory_space<vmem_shared>> -> memref<64xf32, #tpu.memory_space<vmem_shared>>
      %dma_start3A_551 = arith.constant 0 : i32
      %dma_start3A_552 = tpu.memref_slice %arg10[%run_scoped3A_208, %dma_start3A_551] : memref<16x64xf32, #tpu.memory_space<vmem>> -> memref<1x64xf32, #tpu.memory_space<vmem>>
      %dma_start3A_553 = tpu.memref_squeeze %dma_start3A_552 : memref<1x64xf32, #tpu.memory_space<vmem>> -> memref<64xf32, #tpu.memory_space<vmem>>
      %dma_start3A_554 = tpu.memref_slice %arg13[%run_scoped3A_207, %mul3A_206] : memref<16x1024xf32, #tpu.memory_space<vmem_shared>> -> memref<1x64xf32, #tpu.memory_space<vmem_shared>>
      %dma_start3A_555 = tpu.memref_squeeze %dma_start3A_554 : memref<1x64xf32, #tpu.memory_space<vmem_shared>> -> memref<64xf32, #tpu.memory_space<vmem_shared>>
      tpu.enqueue_dma source(%dma_start3A_555 : memref<64xf32, #tpu.memory_space<vmem_shared>>) target(%dma_start3A_553 : memref<64xf32, #tpu.memory_space<vmem>>) target_semaphore(%run_scoped3A_545 : memref<!tpu.dma_semaphore, #tpu.memory_space<semaphore_mem>>)
      %dma_wait3A_556 = arith.constant 0 : i32
      %dma_wait3A_557 = tpu.memref_slice %arg10[%run_scoped3A_208, %dma_wait3A_556] : memref<16x64xf32, #tpu.memory_space<vmem>> -> memref<1x64xf32, #tpu.memory_space<vmem>>
      %dma_wait3A_558 = tpu.memref_squeeze %dma_wait3A_557 : memref<1x64xf32, #tpu.memory_space<vmem>> -> memref<64xf32, #tpu.memory_space<vmem>>
      %dma_wait3A_559 = tpu.memref_slice %arg13[%run_scoped3A_207, %mul3A_206] : memref<16x1024xf32, #tpu.memory_space<vmem_shared>> -> memref<1x64xf32, #tpu.memory_space<vmem_shared>>
      %dma_wait3A_560 = tpu.memref_squeeze %dma_wait3A_559 : memref<1x64xf32, #tpu.memory_space<vmem_shared>> -> memref<64xf32, #tpu.memory_space<vmem_shared>>
      %dma_wait3A_561 = arith.constant 0 : i32
      %dma_wait3A_562 = tpu.memref_slice %arg10[%run_scoped3A_208, %dma_wait3A_561] : memref<16x64xf32, #tpu.memory_space<vmem>> -> memref<1x64xf32, #tpu.memory_space<vmem>>
      %dma_wait3A_563 = tpu.memref_squeeze %dma_wait3A_562 : memref<1x64xf32, #tpu.memory_space<vmem>> -> memref<64xf32, #tpu.memory_space<vmem>>
      %dma_wait3A_564 = tpu.memref_slice %arg13[%run_scoped3A_207, %mul3A_206] : memref<16x1024xf32, #tpu.memory_space<vmem_shared>> -> memref<1x64xf32, #tpu.memory_space<vmem_shared>>
      %dma_wait3A_565 = tpu.memref_squeeze %dma_wait3A_564 : memref<1x64xf32, #tpu.memory_space<vmem_shared>> -> memref<64xf32, #tpu.memory_space<vmem_shared>>
      tpu.wait_dma2 semaphore(%run_scoped3A_545 : memref<!tpu.dma_semaphore, #tpu.memory_space<semaphore_mem>>) src(%dma_wait3A_565 : memref<64xf32, #tpu.memory_space<vmem_shared>>) dst(%dma_wait3A_563 : memref<64xf32, #tpu.memory_space<vmem>>)
      tpu.yield
    }) : () -> ()
    %mul3A_209 = arith.constant 64 : i32
    %mul3A_210 = arith.muli %arg1, %mul3A_209 : i32
    %run_scoped3A_211 = arith.constant 15 : i32
    %run_scoped3A_212 = arith.constant 15 : i32
    "tpu.region"() ({
      %run_scoped3A_545 = tpu.sem_alloc : memref<!tpu.dma_semaphore, #tpu.memory_space<semaphore_mem>>
      %dma_start3A_546 = arith.constant 0 : i32
      %dma_start3A_547 = tpu.memref_slice %arg10[%run_scoped3A_212, %dma_start3A_546] : memref<16x64xf32, #tpu.memory_space<vmem>> -> memref<1x64xf32, #tpu.memory_space<vmem>>
      %dma_start3A_548 = tpu.memref_squeeze %dma_start3A_547 : memref<1x64xf32, #tpu.memory_space<vmem>> -> memref<64xf32, #tpu.memory_space<vmem>>
      %dma_start3A_549 = tpu.memref_slice %arg13[%run_scoped3A_211, %mul3A_210] : memref<16x1024xf32, #tpu.memory_space<vmem_shared>> -> memref<1x64xf32, #tpu.memory_space<vmem_shared>>
      %dma_start3A_550 = tpu.memref_squeeze %dma_start3A_549 : memref<1x64xf32, #tpu.memory_space<vmem_shared>> -> memref<64xf32, #tpu.memory_space<vmem_shared>>
      %dma_start3A_551 = arith.constant 0 : i32
      %dma_start3A_552 = tpu.memref_slice %arg10[%run_scoped3A_212, %dma_start3A_551] : memref<16x64xf32, #tpu.memory_space<vmem>> -> memref<1x64xf32, #tpu.memory_space<vmem>>
      %dma_start3A_553 = tpu.memref_squeeze %dma_start3A_552 : memref<1x64xf32, #tpu.memory_space<vmem>> -> memref<64xf32, #tpu.memory_space<vmem>>
      %dma_start3A_554 = tpu.memref_slice %arg13[%run_scoped3A_211, %mul3A_210] : memref<16x1024xf32, #tpu.memory_space<vmem_shared>> -> memref<1x64xf32, #tpu.memory_space<vmem_shared>>
      %dma_start3A_555 = tpu.memref_squeeze %dma_start3A_554 : memref<1x64xf32, #tpu.memory_space<vmem_shared>> -> memref<64xf32, #tpu.memory_space<vmem_shared>>
      tpu.enqueue_dma source(%dma_start3A_555 : memref<64xf32, #tpu.memory_space<vmem_shared>>) target(%dma_start3A_553 : memref<64xf32, #tpu.memory_space<vmem>>) target_semaphore(%run_scoped3A_545 : memref<!tpu.dma_semaphore, #tpu.memory_space<semaphore_mem>>)
      %dma_wait3A_556 = arith.constant 0 : i32
      %dma_wait3A_557 = tpu.memref_slice %arg10[%run_scoped3A_212, %dma_wait3A_556] : memref<16x64xf32, #tpu.memory_space<vmem>> -> memref<1x64xf32, #tpu.memory_space<vmem>>
      %dma_wait3A_558 = tpu.memref_squeeze %dma_wait3A_557 : memref<1x64xf32, #tpu.memory_space<vmem>> -> memref<64xf32, #tpu.memory_space<vmem>>
      %dma_wait3A_559 = tpu.memref_slice %arg13[%run_scoped3A_211, %mul3A_210] : memref<16x1024xf32, #tpu.memory_space<vmem_shared>> -> memref<1x64xf32, #tpu.memory_space<vmem_shared>>
      %dma_wait3A_560 = tpu.memref_squeeze %dma_wait3A_559 : memref<1x64xf32, #tpu.memory_space<vmem_shared>> -> memref<64xf32, #tpu.memory_space<vmem_shared>>
      %dma_wait3A_561 = arith.constant 0 : i32
      %dma_wait3A_562 = tpu.memref_slice %arg10[%run_scoped3A_212, %dma_wait3A_561] : memref<16x64xf32, #tpu.memory_space<vmem>> -> memref<1x64xf32, #tpu.memory_space<vmem>>
      %dma_wait3A_563 = tpu.memref_squeeze %dma_wait3A_562 : memref<1x64xf32, #tpu.memory_space<vmem>> -> memref<64xf32, #tpu.memory_space<vmem>>
      %dma_wait3A_564 = tpu.memref_slice %arg13[%run_scoped3A_211, %mul3A_210] : memref<16x1024xf32, #tpu.memory_space<vmem_shared>> -> memref<1x64xf32, #tpu.memory_space<vmem_shared>>
      %dma_wait3A_565 = tpu.memref_squeeze %dma_wait3A_564 : memref<1x64xf32, #tpu.memory_space<vmem_shared>> -> memref<64xf32, #tpu.memory_space<vmem_shared>>
      tpu.wait_dma2 semaphore(%run_scoped3A_545 : memref<!tpu.dma_semaphore, #tpu.memory_space<semaphore_mem>>) src(%dma_wait3A_565 : memref<64xf32, #tpu.memory_space<vmem_shared>>) dst(%dma_wait3A_563 : memref<64xf32, #tpu.memory_space<vmem>>)
      tpu.yield
    }) : () -> ()
    %get3A = arith.constant 0 : i32
    %get3A_213 = arith.index_cast %get3A : i32 to index
    %get3A_214 = arith.constant 0 : index
    %get3A_215 = tpu.vector_load %arg10[%get3A_213, %get3A_214] {strides = array<i32>} : memref<16x64xf32, #tpu.memory_space<vmem>>, vector<16xf32>,
    %add3A_216 = arith.addf %broadcast_in_dim3A_79, %get3A_215 : vector<16xf32>
    %get3A_217 = arith.constant 1 : i32
    %get3A_218 = arith.index_cast %get3A_217 : i32 to index
    %get3A_219 = arith.constant 0 : index
    %get3A_220 = tpu.vector_load %arg10[%get3A_218, %get3A_219] {strides = array<i32>} : memref<16x64xf32, #tpu.memory_space<vmem>>, vector<16xf32>,
    %add3A_221 = arith.addf %add3A_216, %get3A_220 : vector<16xf32>
    %get3A_222 = arith.constant 2 : i32
    %get3A_223 = arith.index_cast %get3A_222 : i32 to index
    %get3A_224 = arith.constant 0 : index
    %get3A_225 = tpu.vector_load %arg10[%get3A_223, %get3A_224] {strides = array<i32>} : memref<16x64xf32, #tpu.memory_space<vmem>>, vector<16xf32>,
    %add3A_226 = arith.addf %add3A_221, %get3A_225 : vector<16xf32>
    %get3A_227 = arith.constant 3 : i32
    %get3A_228 = arith.index_cast %get3A_227 : i32 to index
    %get3A_229 = arith.constant 0 : index
    %get3A_230 = tpu.vector_load %arg10[%get3A_228, %get3A_229] {strides = array<i32>} : memref<16x64xf32, #tpu.memory_space<vmem>>, vector<16xf32>,
    %add3A_231 = arith.addf %add3A_226, %get3A_230 : vector<16xf32>
    %get3A_232 = arith.constant 4 : i32
    %get3A_233 = arith.index_cast %get3A_232 : i32 to index
    %get3A_234 = arith.constant 0 : index
    %get3A_235 = tpu.vector_load %arg10[%get3A_233, %get3A_234] {strides = array<i32>} : memref<16x64xf32, #tpu.memory_space<vmem>>, vector<16xf32>,
    %add3A_236 = arith.addf %add3A_231, %get3A_235 : vector<16xf32>
    %get3A_237 = arith.constant 5 : i32
    %get3A_238 = arith.index_cast %get3A_237 : i32 to index
    %get3A_239 = arith.constant 0 : index
    %get3A_240 = tpu.vector_load %arg10[%get3A_238, %get3A_239] {strides = array<i32>} : memref<16x64xf32, #tpu.memory_space<vmem>>, vector<16xf32>,
    %add3A_241 = arith.addf %add3A_236, %get3A_240 : vector<16xf32>
    %get3A_242 = arith.constant 6 : i32
    %get3A_243 = arith.index_cast %get3A_242 : i32 to index
    %get3A_244 = arith.constant 0 : index
    %get3A_245 = tpu.vector_load %arg10[%get3A_243, %get3A_244] {strides = array<i32>} : memref<16x64xf32, #tpu.memory_space<vmem>>, vector<16xf32>,
    %add3A_246 = arith.addf %add3A_241, %get3A_245 : vector<16xf32>
    %get3A_247 = arith.constant 7 : i32
    %get3A_248 = arith.index_cast %get3A_247 : i32 to index
    %get3A_249 = arith.constant 0 : index
    %get3A_250 = tpu.vector_load %arg10[%get3A_248, %get3A_249] {strides = array<i32>} : memref<16x64xf32, #tpu.memory_space<vmem>>, vector<16xf32>,
    %add3A_251 = arith.addf %add3A_246, %get3A_250 : vector<16xf32>
    %get3A_252 = arith.constant 8 : i32
    %get3A_253 = arith.index_cast %get3A_252 : i32 to index
    %get3A_254 = arith.constant 0 : index
    %get3A_255 = tpu.vector_load %arg10[%get3A_253, %get3A_254] {strides = array<i32>} : memref<16x64xf32, #tpu.memory_space<vmem>>, vector<16xf32>,
    %add3A_256 = arith.addf %add3A_251, %get3A_255 : vector<16xf32>
    %get3A_257 = arith.constant 9 : i32
    %get3A_258 = arith.index_cast %get3A_257 : i32 to index
    %get3A_259 = arith.constant 0 : index
    %get3A_260 = tpu.vector_load %arg10[%get3A_258, %get3A_259] {strides = array<i32>} : memref<16x64xf32, #tpu.memory_space<vmem>>, vector<16xf32>,
    %add3A_261 = arith.addf %add3A_256, %get3A_260 : vector<16xf32>
    %get3A_262 = arith.constant 10 : i32
    %get3A_263 = arith.index_cast %get3A_262 : i32 to index
    %get3A_264 = arith.constant 0 : index
    %get3A_265 = tpu.vector_load %arg10[%get3A_263, %get3A_264] {strides = array<i32>} : memref<16x64xf32, #tpu.memory_space<vmem>>, vector<16xf32>,
    %add3A_266 = arith.addf %add3A_261, %get3A_265 : vector<16xf32>
    %get3A_267 = arith.constant 11 : i32
    %get3A_268 = arith.index_cast %get3A_267 : i32 to index
    %get3A_269 = arith.constant 0 : index
    %get3A_270 = tpu.vector_load %arg10[%get3A_268, %get3A_269] {strides = array<i32>} : memref<16x64xf32, #tpu.memory_space<vmem>>, vector<16xf32>,
    %add3A_271 = arith.addf %add3A_266, %get3A_270 : vector<16xf32>
    %get3A_272 = arith.constant 12 : i32
    %get3A_273 = arith.index_cast %get3A_272 : i32 to index
    %get3A_274 = arith.constant 0 : index
    %get3A_275 = tpu.vector_load %arg10[%get3A_273, %get3A_274] {strides = array<i32>} : memref<16x64xf32, #tpu.memory_space<vmem>>, vector<16xf32>,
    %add3A_276 = arith.addf %add3A_271, %get3A_275 : vector<16xf32>
    %get3A_277 = arith.constant 13 : i32
    %get3A_278 = arith.index_cast %get3A_277 : i32 to index
    %get3A_279 = arith.constant 0 : index
    %get3A_280 = tpu.vector_load %arg10[%get3A_278, %get3A_279] {strides = array<i32>} : memref<16x64xf32, #tpu.memory_space<vmem>>, vector<16xf32>,
    %add3A_281 = arith.addf %add3A_276, %get3A_280 : vector<16xf32>
    %get3A_282 = arith.constant 14 : i32
    %get3A_283 = arith.index_cast %get3A_282 : i32 to index
    %get3A_284 = arith.constant 0 : index
    %get3A_285 = tpu.vector_load %arg10[%get3A_283, %get3A_284] {strides = array<i32>} : memref<16x64xf32, #tpu.memory_space<vmem>>, vector<16xf32>,
    %add3A_286 = arith.addf %add3A_281, %get3A_285 : vector<16xf32>
    %get3A_287 = arith.constant 15 : i32
    %get3A_288 = arith.index_cast %get3A_287 : i32 to index
    %get3A_289 = arith.constant 0 : index
    %get3A_290 = tpu.vector_load %arg10[%get3A_288, %get3A_289] {strides = array<i32>} : memref<16x64xf32, #tpu.memory_space<vmem>>, vector<16xf32>,
    %add3A_291 = arith.addf %add3A_286, %get3A_290 : vector<16xf32>
    %swap3A = arith.constant 0 : index
    %swap3A_292 = tpu.vector_load %arg11[%swap3A] {strides = array<i32>} : memref<64xf32, #tpu.memory_space<vmem>>, vector<16xf32>,
    tpu.vector_store %arg11[%swap3A], %add3A_291 {strides = array<i32>} : memref<64xf32, #tpu.memory_space<vmem>>, vector<16xf32>,
    %get3A_293 = arith.constant 0 : i32
    %get3A_294 = arith.index_cast %get3A_293 : i32 to index
    %get3A_295 = arith.constant 16 : index
    %get3A_296 = tpu.vector_load %arg10[%get3A_294, %get3A_295] {strides = array<i32>} : memref<16x64xf32, #tpu.memory_space<vmem>>, vector<16xf32>,
    %add3A_297 = arith.addf %broadcast_in_dim3A_79, %get3A_296 : vector<16xf32>
    %get3A_298 = arith.constant 1 : i32
    %get3A_299 = arith.index_cast %get3A_298 : i32 to index
    %get3A_300 = arith.constant 16 : index
    %get3A_301 = tpu.vector_load %arg10[%get3A_299, %get3A_300] {strides = array<i32>} : memref<16x64xf32, #tpu.memory_space<vmem>>, vector<16xf32>,
    %add3A_302 = arith.addf %add3A_297, %get3A_301 : vector<16xf32>
    %get3A_303 = arith.constant 2 : i32
    %get3A_304 = arith.index_cast %get3A_303 : i32 to index
    %get3A_305 = arith.constant 16 : index
    %get3A_306 = tpu.vector_load %arg10[%get3A_304, %get3A_305] {strides = array<i32>} : memref<16x64xf32, #tpu.memory_space<vmem>>, vector<16xf32>,
    %add3A_307 = arith.addf %add3A_302, %get3A_306 : vector<16xf32>
    %get3A_308 = arith.constant 3 : i32
    %get3A_309 = arith.index_cast %get3A_308 : i32 to index
    %get3A_310 = arith.constant 16 : index
    %get3A_311 = tpu.vector_load %arg10[%get3A_309, %get3A_310] {strides = array<i32>} : memref<16x64xf32, #tpu.memory_space<vmem>>, vector<16xf32>,
    %add3A_312 = arith.addf %add3A_307, %get3A_311 : vector<16xf32>
    %get3A_313 = arith.constant 4 : i32
    %get3A_314 = arith.index_cast %get3A_313 : i32 to index
    %get3A_315 = arith.constant 16 : index
    %get3A_316 = tpu.vector_load %arg10[%get3A_314, %get3A_315] {strides = array<i32>} : memref<16x64xf32, #tpu.memory_space<vmem>>, vector<16xf32>,
    %add3A_317 = arith.addf %add3A_312, %get3A_316 : vector<16xf32>
    %get3A_318 = arith.constant 5 : i32
    %get3A_319 = arith.index_cast %get3A_318 : i32 to index
    %get3A_320 = arith.constant 16 : index
    %get3A_321 = tpu.vector_load %arg10[%get3A_319, %get3A_320] {strides = array<i32>} : memref<16x64xf32, #tpu.memory_space<vmem>>, vector<16xf32>,
    %add3A_322 = arith.addf %add3A_317, %get3A_321 : vector<16xf32>
    %get3A_323 = arith.constant 6 : i32
    %get3A_324 = arith.index_cast %get3A_323 : i32 to index
    %get3A_325 = arith.constant 16 : index
    %get3A_326 = tpu.vector_load %arg10[%get3A_324, %get3A_325] {strides = array<i32>} : memref<16x64xf32, #tpu.memory_space<vmem>>, vector<16xf32>,
    %add3A_327 = arith.addf %add3A_322, %get3A_326 : vector<16xf32>
    %get3A_328 = arith.constant 7 : i32
    %get3A_329 = arith.index_cast %get3A_328 : i32 to index
    %get3A_330 = arith.constant 16 : index
    %get3A_331 = tpu.vector_load %arg10[%get3A_329, %get3A_330] {strides = array<i32>} : memref<16x64xf32, #tpu.memory_space<vmem>>, vector<16xf32>,
    %add3A_332 = arith.addf %add3A_327, %get3A_331 : vector<16xf32>
    %get3A_333 = arith.constant 8 : i32
    %get3A_334 = arith.index_cast %get3A_333 : i32 to index
    %get3A_335 = arith.constant 16 : index
    %get3A_336 = tpu.vector_load %arg10[%get3A_334, %get3A_335] {strides = array<i32>} : memref<16x64xf32, #tpu.memory_space<vmem>>, vector<16xf32>,
    %add3A_337 = arith.addf %add3A_332, %get3A_336 : vector<16xf32>
    %get3A_338 = arith.constant 9 : i32
    %get3A_339 = arith.index_cast %get3A_338 : i32 to index
    %get3A_340 = arith.constant 16 : index
    %get3A_341 = tpu.vector_load %arg10[%get3A_339, %get3A_340] {strides = array<i32>} : memref<16x64xf32, #tpu.memory_space<vmem>>, vector<16xf32>,
    %add3A_342 = arith.addf %add3A_337, %get3A_341 : vector<16xf32>
    %get3A_343 = arith.constant 10 : i32
    %get3A_344 = arith.index_cast %get3A_343 : i32 to index
    %get3A_345 = arith.constant 16 : index
    %get3A_346 = tpu.vector_load %arg10[%get3A_344, %get3A_345] {strides = array<i32>} : memref<16x64xf32, #tpu.memory_space<vmem>>, vector<16xf32>,
    %add3A_347 = arith.addf %add3A_342, %get3A_346 : vector<16xf32>
    %get3A_348 = arith.constant 11 : i32
    %get3A_349 = arith.index_cast %get3A_348 : i32 to index
    %get3A_350 = arith.constant 16 : index
    %get3A_351 = tpu.vector_load %arg10[%get3A_349, %get3A_350] {strides = array<i32>} : memref<16x64xf32, #tpu.memory_space<vmem>>, vector<16xf32>,
    %add3A_352 = arith.addf %add3A_347, %get3A_351 : vector<16xf32>
    %get3A_353 = arith.constant 12 : i32
    %get3A_354 = arith.index_cast %get3A_353 : i32 to index
    %get3A_355 = arith.constant 16 : index
    %get3A_356 = tpu.vector_load %arg10[%get3A_354, %get3A_355] {strides = array<i32>} : memref<16x64xf32, #tpu.memory_space<vmem>>, vector<16xf32>,
    %add3A_357 = arith.addf %add3A_352, %get3A_356 : vector<16xf32>
    %get3A_358 = arith.constant 13 : i32
    %get3A_359 = arith.index_cast %get3A_358 : i32 to index
    %get3A_360 = arith.constant 16 : index
    %get3A_361 = tpu.vector_load %arg10[%get3A_359, %get3A_360] {strides = array<i32>} : memref<16x64xf32, #tpu.memory_space<vmem>>, vector<16xf32>,
    %add3A_362 = arith.addf %add3A_357, %get3A_361 : vector<16xf32>
    %get3A_363 = arith.constant 14 : i32
    %get3A_364 = arith.index_cast %get3A_363 : i32 to index
    %get3A_365 = arith.constant 16 : index
    %get3A_366 = tpu.vector_load %arg10[%get3A_364, %get3A_365] {strides = array<i32>} : memref<16x64xf32, #tpu.memory_space<vmem>>, vector<16xf32>,
    %add3A_367 = arith.addf %add3A_362, %get3A_366 : vector<16xf32>
    %get3A_368 = arith.constant 15 : i32
    %get3A_369 = arith.index_cast %get3A_368 : i32 to index
    %get3A_370 = arith.constant 16 : index
    %get3A_371 = tpu.vector_load %arg10[%get3A_369, %get3A_370] {strides = array<i32>} : memref<16x64xf32, #tpu.memory_space<vmem>>, vector<16xf32>,
    %add3A_372 = arith.addf %add3A_367, %get3A_371 : vector<16xf32>
    %swap3A_373 = arith.constant 16 : index
    %swap3A_374 = tpu.vector_load %arg11[%swap3A_373] {strides = array<i32>} : memref<64xf32, #tpu.memory_space<vmem>>, vector<16xf32>,
    tpu.vector_store %arg11[%swap3A_373], %add3A_372 {strides = array<i32>} : memref<64xf32, #tpu.memory_space<vmem>>, vector<16xf32>,
    %get3A_375 = arith.constant 0 : i32
    %get3A_376 = arith.index_cast %get3A_375 : i32 to index
    %get3A_377 = arith.constant 32 : index
    %get3A_378 = tpu.vector_load %arg10[%get3A_376, %get3A_377] {strides = array<i32>} : memref<16x64xf32, #tpu.memory_space<vmem>>, vector<16xf32>,
    %add3A_379 = arith.addf %broadcast_in_dim3A_79, %get3A_378 : vector<16xf32>
    %get3A_380 = arith.constant 1 : i32
    %get3A_381 = arith.index_cast %get3A_380 : i32 to index
    %get3A_382 = arith.constant 32 : index
    %get3A_383 = tpu.vector_load %arg10[%get3A_381, %get3A_382] {strides = array<i32>} : memref<16x64xf32, #tpu.memory_space<vmem>>, vector<16xf32>,
    %add3A_384 = arith.addf %add3A_379, %get3A_383 : vector<16xf32>
    %get3A_385 = arith.constant 2 : i32
    %get3A_386 = arith.index_cast %get3A_385 : i32 to index
    %get3A_387 = arith.constant 32 : index
    %get3A_388 = tpu.vector_load %arg10[%get3A_386, %get3A_387] {strides = array<i32>} : memref<16x64xf32, #tpu.memory_space<vmem>>, vector<16xf32>,
    %add3A_389 = arith.addf %add3A_384, %get3A_388 : vector<16xf32>
    %get3A_390 = arith.constant 3 : i32
    %get3A_391 = arith.index_cast %get3A_390 : i32 to index
    %get3A_392 = arith.constant 32 : index
    %get3A_393 = tpu.vector_load %arg10[%get3A_391, %get3A_392] {strides = array<i32>} : memref<16x64xf32, #tpu.memory_space<vmem>>, vector<16xf32>,
    %add3A_394 = arith.addf %add3A_389, %get3A_393 : vector<16xf32>
    %get3A_395 = arith.constant 4 : i32
    %get3A_396 = arith.index_cast %get3A_395 : i32 to index
    %get3A_397 = arith.constant 32 : index
    %get3A_398 = tpu.vector_load %arg10[%get3A_396, %get3A_397] {strides = array<i32>} : memref<16x64xf32, #tpu.memory_space<vmem>>, vector<16xf32>,
    %add3A_399 = arith.addf %add3A_394, %get3A_398 : vector<16xf32>
    %get3A_400 = arith.constant 5 : i32
    %get3A_401 = arith.index_cast %get3A_400 : i32 to index
    %get3A_402 = arith.constant 32 : index
    %get3A_403 = tpu.vector_load %arg10[%get3A_401, %get3A_402] {strides = array<i32>} : memref<16x64xf32, #tpu.memory_space<vmem>>, vector<16xf32>,
    %add3A_404 = arith.addf %add3A_399, %get3A_403 : vector<16xf32>
    %get3A_405 = arith.constant 6 : i32
    %get3A_406 = arith.index_cast %get3A_405 : i32 to index
    %get3A_407 = arith.constant 32 : index
    %get3A_408 = tpu.vector_load %arg10[%get3A_406, %get3A_407] {strides = array<i32>} : memref<16x64xf32, #tpu.memory_space<vmem>>, vector<16xf32>,
    %add3A_409 = arith.addf %add3A_404, %get3A_408 : vector<16xf32>
    %get3A_410 = arith.constant 7 : i32
    %get3A_411 = arith.index_cast %get3A_410 : i32 to index
    %get3A_412 = arith.constant 32 : index
    %get3A_413 = tpu.vector_load %arg10[%get3A_411, %get3A_412] {strides = array<i32>} : memref<16x64xf32, #tpu.memory_space<vmem>>, vector<16xf32>,
    %add3A_414 = arith.addf %add3A_409, %get3A_413 : vector<16xf32>
    %get3A_415 = arith.constant 8 : i32
    %get3A_416 = arith.index_cast %get3A_415 : i32 to index
    %get3A_417 = arith.constant 32 : index
    %get3A_418 = tpu.vector_load %arg10[%get3A_416, %get3A_417] {strides = array<i32>} : memref<16x64xf32, #tpu.memory_space<vmem>>, vector<16xf32>,
    %add3A_419 = arith.addf %add3A_414, %get3A_418 : vector<16xf32>
    %get3A_420 = arith.constant 9 : i32
    %get3A_421 = arith.index_cast %get3A_420 : i32 to index
    %get3A_422 = arith.constant 32 : index
    %get3A_423 = tpu.vector_load %arg10[%get3A_421, %get3A_422] {strides = array<i32>} : memref<16x64xf32, #tpu.memory_space<vmem>>, vector<16xf32>,
    %add3A_424 = arith.addf %add3A_419, %get3A_423 : vector<16xf32>
    %get3A_425 = arith.constant 10 : i32
    %get3A_426 = arith.index_cast %get3A_425 : i32 to index
    %get3A_427 = arith.constant 32 : index
    %get3A_428 = tpu.vector_load %arg10[%get3A_426, %get3A_427] {strides = array<i32>} : memref<16x64xf32, #tpu.memory_space<vmem>>, vector<16xf32>,
    %add3A_429 = arith.addf %add3A_424, %get3A_428 : vector<16xf32>
    %get3A_430 = arith.constant 11 : i32
    %get3A_431 = arith.index_cast %get3A_430 : i32 to index
    %get3A_432 = arith.constant 32 : index
    %get3A_433 = tpu.vector_load %arg10[%get3A_431, %get3A_432] {strides = array<i32>} : memref<16x64xf32, #tpu.memory_space<vmem>>, vector<16xf32>,
    %add3A_434 = arith.addf %add3A_429, %get3A_433 : vector<16xf32>
    %get3A_435 = arith.constant 12 : i32
    %get3A_436 = arith.index_cast %get3A_435 : i32 to index
    %get3A_437 = arith.constant 32 : index
    %get3A_438 = tpu.vector_load %arg10[%get3A_436, %get3A_437] {strides = array<i32>} : memref<16x64xf32, #tpu.memory_space<vmem>>, vector<16xf32>,
    %add3A_439 = arith.addf %add3A_434, %get3A_438 : vector<16xf32>
    %get3A_440 = arith.constant 13 : i32
    %get3A_441 = arith.index_cast %get3A_440 : i32 to index
    %get3A_442 = arith.constant 32 : index
    %get3A_443 = tpu.vector_load %arg10[%get3A_441, %get3A_442] {strides = array<i32>} : memref<16x64xf32, #tpu.memory_space<vmem>>, vector<16xf32>,
    %add3A_444 = arith.addf %add3A_439, %get3A_443 : vector<16xf32>
    %get3A_445 = arith.constant 14 : i32
    %get3A_446 = arith.index_cast %get3A_445 : i32 to index
    %get3A_447 = arith.constant 32 : index
    %get3A_448 = tpu.vector_load %arg10[%get3A_446, %get3A_447] {strides = array<i32>} : memref<16x64xf32, #tpu.memory_space<vmem>>, vector<16xf32>,
    %add3A_449 = arith.addf %add3A_444, %get3A_448 : vector<16xf32>
    %get3A_450 = arith.constant 15 : i32
    %get3A_451 = arith.index_cast %get3A_450 : i32 to index
    %get3A_452 = arith.constant 32 : index
    %get3A_453 = tpu.vector_load %arg10[%get3A_451, %get3A_452] {strides = array<i32>} : memref<16x64xf32, #tpu.memory_space<vmem>>, vector<16xf32>,
    %add3A_454 = arith.addf %add3A_449, %get3A_453 : vector<16xf32>
    %swap3A_455 = arith.constant 32 : index
    %swap3A_456 = tpu.vector_load %arg11[%swap3A_455] {strides = array<i32>} : memref<64xf32, #tpu.memory_space<vmem>>, vector<16xf32>,
    tpu.vector_store %arg11[%swap3A_455], %add3A_454 {strides = array<i32>} : memref<64xf32, #tpu.memory_space<vmem>>, vector<16xf32>,
    %get3A_457 = arith.constant 0 : i32
    %get3A_458 = arith.index_cast %get3A_457 : i32 to index
    %get3A_459 = arith.constant 48 : index
    %get3A_460 = tpu.vector_load %arg10[%get3A_458, %get3A_459] {strides = array<i32>} : memref<16x64xf32, #tpu.memory_space<vmem>>, vector<16xf32>,
    %add3A_461 = arith.addf %broadcast_in_dim3A_79, %get3A_460 : vector<16xf32>
    %get3A_462 = arith.constant 1 : i32
    %get3A_463 = arith.index_cast %get3A_462 : i32 to index
    %get3A_464 = arith.constant 48 : index
    %get3A_465 = tpu.vector_load %arg10[%get3A_463, %get3A_464] {strides = array<i32>} : memref<16x64xf32, #tpu.memory_space<vmem>>, vector<16xf32>,
    %add3A_466 = arith.addf %add3A_461, %get3A_465 : vector<16xf32>
    %get3A_467 = arith.constant 2 : i32
    %get3A_468 = arith.index_cast %get3A_467 : i32 to index
    %get3A_469 = arith.constant 48 : index
    %get3A_470 = tpu.vector_load %arg10[%get3A_468, %get3A_469] {strides = array<i32>} : memref<16x64xf32, #tpu.memory_space<vmem>>, vector<16xf32>,
    %add3A_471 = arith.addf %add3A_466, %get3A_470 : vector<16xf32>
    %get3A_472 = arith.constant 3 : i32
    %get3A_473 = arith.index_cast %get3A_472 : i32 to index
    %get3A_474 = arith.constant 48 : index
    %get3A_475 = tpu.vector_load %arg10[%get3A_473, %get3A_474] {strides = array<i32>} : memref<16x64xf32, #tpu.memory_space<vmem>>, vector<16xf32>,
    %add3A_476 = arith.addf %add3A_471, %get3A_475 : vector<16xf32>
    %get3A_477 = arith.constant 4 : i32
    %get3A_478 = arith.index_cast %get3A_477 : i32 to index
    %get3A_479 = arith.constant 48 : index
    %get3A_480 = tpu.vector_load %arg10[%get3A_478, %get3A_479] {strides = array<i32>} : memref<16x64xf32, #tpu.memory_space<vmem>>, vector<16xf32>,
    %add3A_481 = arith.addf %add3A_476, %get3A_480 : vector<16xf32>
    %get3A_482 = arith.constant 5 : i32
    %get3A_483 = arith.index_cast %get3A_482 : i32 to index
    %get3A_484 = arith.constant 48 : index
    %get3A_485 = tpu.vector_load %arg10[%get3A_483, %get3A_484] {strides = array<i32>} : memref<16x64xf32, #tpu.memory_space<vmem>>, vector<16xf32>,
    %add3A_486 = arith.addf %add3A_481, %get3A_485 : vector<16xf32>
    %get3A_487 = arith.constant 6 : i32
    %get3A_488 = arith.index_cast %get3A_487 : i32 to index
    %get3A_489 = arith.constant 48 : index
    %get3A_490 = tpu.vector_load %arg10[%get3A_488, %get3A_489] {strides = array<i32>} : memref<16x64xf32, #tpu.memory_space<vmem>>, vector<16xf32>,
    %add3A_491 = arith.addf %add3A_486, %get3A_490 : vector<16xf32>
    %get3A_492 = arith.constant 7 : i32
    %get3A_493 = arith.index_cast %get3A_492 : i32 to index
    %get3A_494 = arith.constant 48 : index
    %get3A_495 = tpu.vector_load %arg10[%get3A_493, %get3A_494] {strides = array<i32>} : memref<16x64xf32, #tpu.memory_space<vmem>>, vector<16xf32>,
    %add3A_496 = arith.addf %add3A_491, %get3A_495 : vector<16xf32>
    %get3A_497 = arith.constant 8 : i32
    %get3A_498 = arith.index_cast %get3A_497 : i32 to index
    %get3A_499 = arith.constant 48 : index
    %get3A_500 = tpu.vector_load %arg10[%get3A_498, %get3A_499] {strides = array<i32>} : memref<16x64xf32, #tpu.memory_space<vmem>>, vector<16xf32>,
    %add3A_501 = arith.addf %add3A_496, %get3A_500 : vector<16xf32>
    %get3A_502 = arith.constant 9 : i32
    %get3A_503 = arith.index_cast %get3A_502 : i32 to index
    %get3A_504 = arith.constant 48 : index
    %get3A_505 = tpu.vector_load %arg10[%get3A_503, %get3A_504] {strides = array<i32>} : memref<16x64xf32, #tpu.memory_space<vmem>>, vector<16xf32>,
    %add3A_506 = arith.addf %add3A_501, %get3A_505 : vector<16xf32>
    %get3A_507 = arith.constant 10 : i32
    %get3A_508 = arith.index_cast %get3A_507 : i32 to index
    %get3A_509 = arith.constant 48 : index
    %get3A_510 = tpu.vector_load %arg10[%get3A_508, %get3A_509] {strides = array<i32>} : memref<16x64xf32, #tpu.memory_space<vmem>>, vector<16xf32>,
    %add3A_511 = arith.addf %add3A_506, %get3A_510 : vector<16xf32>
    %get3A_512 = arith.constant 11 : i32
    %get3A_513 = arith.index_cast %get3A_512 : i32 to index
    %get3A_514 = arith.constant 48 : index
    %get3A_515 = tpu.vector_load %arg10[%get3A_513, %get3A_514] {strides = array<i32>} : memref<16x64xf32, #tpu.memory_space<vmem>>, vector<16xf32>,
    %add3A_516 = arith.addf %add3A_511, %get3A_515 : vector<16xf32>
    %get3A_517 = arith.constant 12 : i32
    %get3A_518 = arith.index_cast %get3A_517 : i32 to index
    %get3A_519 = arith.constant 48 : index
    %get3A_520 = tpu.vector_load %arg10[%get3A_518, %get3A_519] {strides = array<i32>} : memref<16x64xf32, #tpu.memory_space<vmem>>, vector<16xf32>,
    %add3A_521 = arith.addf %add3A_516, %get3A_520 : vector<16xf32>
    %get3A_522 = arith.constant 13 : i32
    %get3A_523 = arith.index_cast %get3A_522 : i32 to index
    %get3A_524 = arith.constant 48 : index
    %get3A_525 = tpu.vector_load %arg10[%get3A_523, %get3A_524] {strides = array<i32>} : memref<16x64xf32, #tpu.memory_space<vmem>>, vector<16xf32>,
    %add3A_526 = arith.addf %add3A_521, %get3A_525 : vector<16xf32>
    %get3A_527 = arith.constant 14 : i32
    %get3A_528 = arith.index_cast %get3A_527 : i32 to index
    %get3A_529 = arith.constant 48 : index
    %get3A_530 = tpu.vector_load %arg10[%get3A_528, %get3A_529] {strides = array<i32>} : memref<16x64xf32, #tpu.memory_space<vmem>>, vector<16xf32>,
    %add3A_531 = arith.addf %add3A_526, %get3A_530 : vector<16xf32>
    %get3A_532 = arith.constant 15 : i32
    %get3A_533 = arith.index_cast %get3A_532 : i32 to index
    %get3A_534 = arith.constant 48 : index
    %get3A_535 = tpu.vector_load %arg10[%get3A_533, %get3A_534] {strides = array<i32>} : memref<16x64xf32, #tpu.memory_space<vmem>>, vector<16xf32>,
    %add3A_536 = arith.addf %add3A_531, %get3A_535 : vector<16xf32>
    %swap3A_537 = arith.constant 48 : index
    %swap3A_538 = tpu.vector_load %arg11[%swap3A_537] {strides = array<i32>} : memref<64xf32, #tpu.memory_space<vmem>>, vector<16xf32>,
    tpu.vector_store %arg11[%swap3A_537], %add3A_536 {strides = array<i32>} : memref<64xf32, #tpu.memory_space<vmem>>, vector<16xf32>,
    %mul3A_539 = arith.constant 64 : i32
    %mul3A_540 = arith.muli %arg1, %mul3A_539 : i32
    "tpu.region"() ({
      %run_scoped3A_545 = tpu.sem_alloc : memref<!tpu.dma_semaphore, #tpu.memory_space<semaphore_mem>>
      %dma_start3A_546 = tpu.memref_slice %arg5[%arg0, %mul3A_540] : memref<2x1024xf32, #tpu.memory_space<hbm>> -> memref<1x64xf32, #tpu.memory_space<hbm>>
      %dma_start3A_547 = tpu.memref_squeeze %dma_start3A_546 : memref<1x64xf32, #tpu.memory_space<hbm>> -> memref<64xf32, #tpu.memory_space<hbm>>
      %dma_start3A_548 = tpu.memref_slice %arg5[%arg0, %mul3A_540] : memref<2x1024xf32, #tpu.memory_space<hbm>> -> memref<1x64xf32, #tpu.memory_space<hbm>>
      %dma_start3A_549 = tpu.memref_squeeze %dma_start3A_548 : memref<1x64xf32, #tpu.memory_space<hbm>> -> memref<64xf32, #tpu.memory_space<hbm>>
      tpu.enqueue_dma source(%arg11 : memref<64xf32, #tpu.memory_space<vmem>>) target(%dma_start3A_549 : memref<64xf32, #tpu.memory_space<hbm>>) target_semaphore(%run_scoped3A_545 : memref<!tpu.dma_semaphore, #tpu.memory_space<semaphore_mem>>)
      %dma_wait3A_550 = tpu.memref_slice %arg5[%arg0, %mul3A_540] : memref<2x1024xf32, #tpu.memory_space<hbm>> -> memref<1x64xf32, #tpu.memory_space<hbm>>
      %dma_wait3A_551 = tpu.memref_squeeze %dma_wait3A_550 : memref<1x64xf32, #tpu.memory_space<hbm>> -> memref<64xf32, #tpu.memory_space<hbm>>
      %dma_wait3A_552 = tpu.memref_slice %arg5[%arg0, %mul3A_540] : memref<2x1024xf32, #tpu.memory_space<hbm>> -> memref<1x64xf32, #tpu.memory_space<hbm>>
      %dma_wait3A_553 = tpu.memref_squeeze %dma_wait3A_552 : memref<1x64xf32, #tpu.memory_space<hbm>> -> memref<64xf32, #tpu.memory_space<hbm>>
      tpu.wait_dma2 semaphore(%run_scoped3A_545 : memref<!tpu.dma_semaphore, #tpu.memory_space<semaphore_mem>>) src(%arg11 : memref<64xf32, #tpu.memory_space<vmem>>) dst(%dma_wait3A_553 : memref<64xf32, #tpu.memory_space<hbm>>)
      tpu.yield
    }) : () -> ()
    %mul3A_541 = arith.constant 64 : i32
    %mul3A_542 = arith.muli %arg1, %mul3A_541 : i32
    %mul3A_543 = arith.constant 64 : i32
    %mul3A_544 = arith.muli %arg1, %mul3A_543 : i32
    "tpu.region"() ({
      %run_scoped3A_545 = tpu.sem_alloc : memref<!tpu.dma_semaphore, #tpu.memory_space<semaphore_mem>>
      %dma_start3A_546 = arith.constant 0 : i32
      %dma_start3A_547 = tpu.memref_slice %arg4[%arg0, %mul3A_544, %dma_start3A_546] : memref<2x1024x128xf32, #tpu.memory_space<hbm>> -> memref<1x64x128xf32, #tpu.memory_space<hbm>>
      %dma_start3A_548 = tpu.memref_squeeze %dma_start3A_547 : memref<1x64x128xf32, #tpu.memory_space<hbm>> -> memref<64x128xf32, #tpu.memory_space<hbm>>
      %dma_start3A_549 = arith.constant 0 : i32
      %dma_start3A_550 = tpu.memref_slice %arg12[%mul3A_542, %dma_start3A_549] : memref<1024x128xf32, #tpu.memory_space<vmem_shared>> -> memref<64x128xf32, #tpu.memory_space<vmem_shared>>
      tpu.enqueue_dma source(%dma_start3A_550 : memref<64x128xf32, #tpu.memory_space<vmem_shared>>) target(%dma_start3A_548 : memref<64x128xf32, #tpu.memory_space<hbm>>) target_semaphore(%run_scoped3A_545 : memref<!tpu.dma_semaphore, #tpu.memory_space<semaphore_mem>>)
      %dma_wait3A_551 = arith.constant 0 : i32
      %dma_wait3A_552 = tpu.memref_slice %arg4[%arg0, %mul3A_544, %dma_wait3A_551] : memref<2x1024x128xf32, #tpu.memory_space<hbm>> -> memref<1x64x128xf32, #tpu.memory_space<hbm>>
      %dma_wait3A_553 = tpu.memref_squeeze %dma_wait3A_552 : memref<1x64x128xf32, #tpu.memory_space<hbm>> -> memref<64x128xf32, #tpu.memory_space<hbm>>
      %dma_wait3A_554 = arith.constant 0 : i32
      %dma_wait3A_555 = tpu.memref_slice %arg12[%mul3A_542, %dma_wait3A_554] : memref<1024x128xf32, #tpu.memory_space<vmem_shared>> -> memref<64x128xf32, #tpu.memory_space<vmem_shared>>
      tpu.wait_dma2 semaphore(%run_scoped3A_545 : memref<!tpu.dma_semaphore, #tpu.memory_space<semaphore_mem>>) src(%dma_wait3A_555 : memref<64x128xf32, #tpu.memory_space<vmem_shared>>) dst(%dma_wait3A_553 : memref<64x128xf32, #tpu.memory_space<hbm>>)
      tpu.yield
    }) : () -> ()
    return
  }
}

module attributes {stable_mosaic.version = 14 : i64} {
  func.func @body(%arg0: memref<2x1024x128xf32, #tpu.memory_space<vmem>>, %arg1: memref<2x1024x1xf32, #tpu.memory_space<vmem>>, %arg2: memref<1x1xf32, #tpu.memory_space<vmem>>) attributes {dimension_semantics = [], scalar_prefetch = 0 : i64, scratch_operands = 0 : i64, tpu.core_type = #tpu.core_type<tc>} {
    %get3A = arith.constant 0 : index
    %get3A_0 = arith.constant 0 : index
    %get3A_1 = arith.constant 0 : index
    %get3A_2 = vector.load %arg0[%get3A, %get3A_0, %get3A_1] : memref<2x1024x128xf32, #tpu.memory_space<vmem>>, vector<1x1024x128xf32>
    %get3A_3 = vector.shape_cast %get3A_2 : vector<1x1024x128xf32> to vector<1024x128xf32>
    %get3A_4 = arith.constant 1 : index
    %get3A_5 = arith.constant 0 : index
    %get3A_6 = arith.constant 0 : index
    %get3A_7 = vector.load %arg0[%get3A_4, %get3A_5, %get3A_6] : memref<2x1024x128xf32, #tpu.memory_space<vmem>>, vector<1x1024x128xf32>
    %get3A_8 = vector.shape_cast %get3A_7 : vector<1x1024x128xf32> to vector<1024x128xf32>
    %add3A = arith.addf %get3A_3, %get3A_8 : vector<1024x128xf32>
    %get3A_9 = arith.constant 0 : index
    %get3A_10 = arith.constant 0 : index
    %get3A_11 = arith.constant 0 : index
    %get3A_12 = vector.load %arg1[%get3A_9, %get3A_10, %get3A_11] : memref<2x1024x1xf32, #tpu.memory_space<vmem>>, vector<1x1024x1xf32>
    %get3A_13 = vector.shape_cast %get3A_12 : vector<1x1024x1xf32> to vector<1024x1xf32>
    %get3A_14 = arith.constant 1 : index
    %get3A_15 = arith.constant 0 : index
    %get3A_16 = arith.constant 0 : index
    %get3A_17 = vector.load %arg1[%get3A_14, %get3A_15, %get3A_16] : memref<2x1024x1xf32, #tpu.memory_space<vmem>>, vector<1x1024x1xf32>
    %get3A_18 = vector.shape_cast %get3A_17 : vector<1x1024x1xf32> to vector<1024x1xf32>
    %add3A_19 = arith.addf %get3A_13, %get3A_18 : vector<1024x1xf32>
    %gt3A = arith.constant 0.000000e+00 : f32
    %gt3A_20 = vector.broadcast %gt3A : f32 to vector<1024x1xf32>
    %gt3A_21 = arith.cmpf ogt, %add3A_19, %gt3A_20 : vector<1024x1xf32>
    %convert_element_type3A = arith.extui %gt3A_21 : vector<1024x1xi1> to vector<1024x1xi32>
    %convert_element_type3A_22 = arith.sitofp %convert_element_type3A : vector<1024x1xi32> to vector<1024x1xf32>
    %reduce_sum3A = vector.shape_cast %convert_element_type3A_22 : vector<1024x1xf32> to vector<1x1024x1xf32>
    %reduce_sum3A_23 = arith.constant dense<0.000000e+00> : vector<1xf32>
    %reduce_sum3A_24 = vector.multi_reduction <add>, %reduce_sum3A, %reduce_sum3A_23 [1, 2] : vector<1x1024x1xf32> to vector<1xf32>
    %reduce_sum3A_25 = vector.shape_cast %reduce_sum3A_24 : vector<1xf32> to vector<1x1x1xf32>
    %reduce_sum3A_26 = vector.extract %reduce_sum3A_25[0, 0, 0] : f32 from vector<1x1x1xf32>
    %max3A = arith.constant 1.000000e+00 : f32
    %max3A_27 = vector.broadcast %max3A : f32 to vector<1024x1xf32>
    %max3A_28 = arith.maximumf %add3A_19, %max3A_27 : vector<1024x1xf32>
    %div3A = vector.broadcast %max3A_28 : vector<1024x1xf32> to vector<1024x128xf32>
    %div3A_29 = arith.divf %add3A, %div3A : vector<1024x128xf32>
    %mul3A = vector.broadcast %convert_element_type3A_22 : vector<1024x1xf32> to vector<1024x128xf32>
    %mul3A_30 = arith.mulf %div3A_29, %mul3A : vector<1024x128xf32>
    %reduce_sum3A_31 = arith.constant dense<0.000000e+00> : vector<128xf32>
    %reduce_sum3A_32 = vector.multi_reduction <add>, %mul3A_30, %reduce_sum3A_31 [0] : vector<1024x128xf32> to vector<128xf32>
    %broadcast_in_dim3A = vector.shape_cast %reduce_sum3A_32 : vector<128xf32> to vector<1x128xf32>
    %div3A_33 = vector.broadcast %reduce_sum3A_26 : f32 to vector<1x128xf32>
    %div3A_34 = arith.divf %broadcast_in_dim3A, %div3A_33 : vector<1x128xf32>
    %sub3A = vector.broadcast %div3A_34 : vector<1x128xf32> to vector<1024x128xf32>
    %sub3A_35 = arith.subf %div3A_29, %sub3A : vector<1024x128xf32>
    %mul3A_36 = vector.broadcast %convert_element_type3A_22 : vector<1024x1xf32> to vector<1024x128xf32>
    %mul3A_37 = arith.mulf %sub3A_35, %mul3A_36 : vector<1024x128xf32>
    %mul3A_38 = arith.mulf %mul3A_37, %mul3A_37 : vector<1024x128xf32>
    %reduce_sum3A_39 = arith.constant dense<0.000000e+00> : vector<128xf32>
    %reduce_sum3A_40 = vector.multi_reduction <add>, %mul3A_38, %reduce_sum3A_39 [0] : vector<1024x128xf32> to vector<128xf32>
    %broadcast_in_dim3A_41 = vector.shape_cast %reduce_sum3A_40 : vector<128xf32> to vector<1x128xf32>
    %sub3A_42 = arith.constant 1.000000e+00 : f32
    %sub3A_43 = arith.subf %reduce_sum3A_26, %sub3A_42 : f32
    %div3A_44 = vector.broadcast %sub3A_43 : f32 to vector<1x128xf32>
    %div3A_45 = arith.divf %broadcast_in_dim3A_41, %div3A_44 : vector<1x128xf32>
    %reduce_sum3A_46 = vector.shape_cast %div3A_45 : vector<1x128xf32> to vector<1x1x128xf32>
    %reduce_sum3A_47 = arith.constant dense<0.000000e+00> : vector<1xf32>
    %reduce_sum3A_48 = vector.multi_reduction <add>, %reduce_sum3A_46, %reduce_sum3A_47 [1, 2] : vector<1x1x128xf32> to vector<1xf32>
    %reduce_sum3A_49 = vector.shape_cast %reduce_sum3A_48 : vector<1xf32> to vector<1x1x1xf32>
    %reduce_sum3A_50 = vector.extract %reduce_sum3A_49[0, 0, 0] : f32 from vector<1x1x1xf32>
    %div3A_51 = arith.constant 1.280000e+02 : f32
    %div3A_52 = arith.divf %reduce_sum3A_50, %div3A_51 : f32
    %neg3A = arith.constant 0.000000e+00 : f32
    %neg3A_53 = arith.subf %neg3A, %div3A_52 : f32
    %broadcast_in_dim3A_54 = vector.broadcast %neg3A_53 : f32 to vector<1x1xf32>
    %swap3A = arith.constant 0 : index
    %swap3A_55 = arith.constant 0 : index
    %swap3A_56 = vector.load %arg2[%swap3A, %swap3A_55] : memref<1x1xf32, #tpu.memory_space<vmem>>, vector<1x1xf32>
    tpu.vector_store %arg2[%swap3A, %swap3A_55], %broadcast_in_dim3A_54 {strides = array<i32>} : memref<1x1xf32, #tpu.memory_space<vmem>>, vector<1x1xf32>,
    return
  }
}

</mosaic_0001>

<sc_bundles>
// kernel: kernel.4.cloned.1.call-start
scs
__scs_entry_jumppad:
0x0: {  	(pc) =	sbr.rel $0x88, $3  }
0x1: {  	(tag) =	ssettag $0x0;
	lr =	simm.s32 $0x1  }
0x2: {  	[smem:$0x3F9F] =	sst lr;
	_ =	strace $0xD0000000  }
0x3: {  	_ = 	snop  }
0x4: {  	_ = 	snop  }
0x5: {  	_ = 	snop  }
0x6: {  	_ = 	snop  }
0x7: {  	_ = 	snop  }
__scs_overlays_trampoline_lowered:
0x8: {  	[smem:$0x3FAE] =	sst s0  }
0x9: {  	[smem:$0x3FAF] =	sst s1  }
0xa: {  	[smem:$0x3FB0] =	sst s2  }
0xb: {  	[smem:$0x3FB1] =	sst s3  }
0xc: {  	[smem:$0x3FB2] =	sst s4  }
0xd: {  	[smem:$0x3FB3] =	sst s5  }
0xe: {  	[smem:$0x3FB4] =	sst s6  }
0xf: {  	[smem:$0x3FB5] =	sst s7  }
0x10: {  	[smem:$0x3FB6] =	sst s8  }
0x11: {  	[smem:$0x3FB7] =	sst s9;
	s0 =	simm.s32 @!p0 $0x0  }
0x12: {  	s1 =	sld [smem:$0x3F9D];
	s0 =	simm.s32 @p0 $0x1  }
0x13: {  	[smem:$0x3FB8] =	sst s0;
	s0 =	simm.s32 @!p1 $0x0  }
0x14: {  	s2 =	sld [smem:$0x3F9C];
	s0 =	simm.s32 @p1 $0x1  }
0x15: {  	[smem:$0x3FB9] =	sst s0;
	s0 =	simm.s32 @!p2 $0x0  }
0x16: {  	s3 =	sld [smem:$0x3FDB];
	s0 =	simm.s32 @p2 $0x1  }
0x17: {  	s4 =	simm.s32 $0x1BF5;
	[smem:$0x3FBB] =	sst s0  }
0x18: {  	s0 =	sld [smem:$0x3F9E];
	_ =	swait.ge [sflag:s4], $0x0  }
0x19: {  	s7 =	sld [smem:$0x3F9F]  }
0x1a: {  	s8 =	sadd.s32 $0xFFFFE003, lr  }
0x1b: {  	s9 =	sadd.s32 $0xFFFFFEF7, lr;
	s5 =	simm.s32 $0xFFFFFFFF;
	p2 =	slt.u32 s8, $0xFFFFF086  }
0x1c: {  	p1 =	slt.u32 s9, $0xF7A;
	s5 =	simm.s32 @!p2 $0x0  }
0x1d: {  	s5 =	simm.s32 @p1 $0x1;
	p0 =	seq.s32 s7, s2  }
0x1e: {  	s7 =	smul.u32 @!p0 $0xF7A, s2;
	p2 =	seq.s32 @!p0 s5, $0x0  }
0x1f: {  	s9 =	smul.u32 $0xF7A, s1;
	s8 =	simm.s32 @!p0 $0x1BF5;
	p2 =	por !p2, p0  }
0x20: {  	[sflag:s8] =	ssyncset.s32 @!p0 $0xFFFFF086;
	s6 =	sadd.s32 @!p0 s3, s7;
	s7 =	simm.s32 @!p0 $0x108  }
0x21: {  	s3 =	sadd.s32 s3, s9;
	s6 =	sadd.s32 @!p0 $0x88, s6;
	s7 =	simm.s32 @p2 $0x1082  }
0x22: {  	[simem:s7], [sflag:s8] =	dma.local @!p0 [hbm:s6], $0xF7A  }
0x23: {  	s9 =	sor.u32 $0xD0000000, s2;
	s6 =	simm.s32 $0x108;
	_ =	swait.ge @!p0 [sflag:s8], $0x0  }
0x24: {  	s3 =	sadd.s32 $0x88, s3;
	s6 =	simm.s32 @!p1 $0x1082;
	[sflag:s4] =	ssyncset.s32 $0xFFFFF086  }
0x25: {  	[simem:s6], [sflag:s4] =	dma.local [hbm:s3], $0xF7A  }
0x26: {  	[smem:$0x3F9F] =	sst s1;
	(tag) =	ssettag s2;
	_ =	strace s9  }
0x27: {  	s1 =	sld [smem:$0x3FAF]  }
0x28: {  	s2 =	sld [smem:$0x3FB0]  }
0x29: {  	s4 =	sld [smem:$0x3FB2]  }
0x2a: {  	p0 =	seq.s32 s5, $0x0;
	s5 =	sld [smem:$0x3FB3]  }
0x2b: {  	s6 =	sld [smem:$0x3FB4]  }
0x2c: {  	s7 =	sld [smem:$0x3FB5]  }
0x2d: {  	s3 =	simm.s32 $0x108;
	s8 =	sld [smem:$0x3FB6]  }
0x2e: {  	s3 =	simm.s32 @!p0 $0x1082;
	s9 =	sld [smem:$0x3FB7]  }
0x2f: {  	lr =	sadd.s32 s0, s3;
	s0 =	sld [smem:$0x3FAE]  }
0x30: {  	s3 =	sld [smem:$0x3FB1]  }
0x31: {  	[smem:$0x3FBA] =	sst s10  }
0x32: {  	s10 =	sld [smem:$0x3FB8];
	_ =	sdelay $0x3  }
0x33: {  	p0 =	seq.s32 s10, $0x1;
	s10 =	sld [smem:$0x3FBA];
	_ =	sdelay $0x3  }
0x34: {  	[smem:$0x3FBA] =	sst s10  }
0x35: {  	s10 =	sld [smem:$0x3FB9];
	_ =	sdelay $0x3  }
0x36: {  	p1 =	seq.s32 s10, $0x1;
	s10 =	sld [smem:$0x3FBA];
	_ =	sdelay $0x3  }
0x37: {  	[smem:$0x3FBA] =	sst s10  }
0x38: {  	s10 =	sld [smem:$0x3FBB]  }
0x39: {  	_ = 	snop;
	(pc) =	sbr.ind lr, $3  }
0x3a: {  	_ = 	snop  }
0x3b: {  	_ = 	snop  }
0x3c: {  	p2 =	seq.s32 s10, $0x1;
	s10 =	sld [smem:$0x3FBA]  }
0x3d: {  	_ =	shalt  }
0x3e: {  	_ =	shalt  }
0x3f: {  	_ =	shalt  }
0x40: {  	_ =	shalt  }
0x41: {  	_ =	shalt  }
0x42: {  	_ =	shalt  }
0x43: {  	_ =	shalt  }
0x44: {  	_ =	shalt  }
0x45: {  	_ =	shalt  }
0x46: {  	_ =	shalt  }
0x47: {  	_ =	shalt  }
0x48: {  	_ =	shalt  }
0x49: {  	_ =	shalt  }
0x4a: {  	_ =	shalt  }
0x4b: {  	_ =	shalt  }
0x4c: {  	_ =	shalt  }
0x4d: {  	_ =	shalt  }
0x4e: {  	_ =	shalt  }
0x4f: {  	_ =	shalt  }
0x50: {  	_ =	shalt  }
0x51: {  	_ =	shalt  }
0x52: {  	_ =	shalt  }
0x53: {  	_ =	shalt  }
0x54: {  	_ =	shalt  }
0x55: {  	_ =	shalt  }
0x56: {  	_ =	shalt  }
0x57: {  	_ =	shalt  }
0x58: {  	_ =	shalt  }
0x59: {  	_ =	shalt  }
0x5a: {  	_ =	shalt  }
0x5b: {  	_ =	shalt  }
0x5c: {  	_ =	shalt  }
0x5d: {  	_ =	shalt  }
0x5e: {  	_ =	shalt  }
0x5f: {  	_ =	shalt  }
0x60: {  	_ =	shalt  }
0x61: {  	_ =	shalt  }
0x62: {  	_ =	shalt  }
0x63: {  	_ =	shalt  }
0x64: {  	_ =	shalt  }
0x65: {  	_ =	shalt  }
0x66: {  	_ =	shalt  }
0x67: {  	_ =	shalt  }
0x68: {  	_ =	shalt  }
0x69: {  	_ =	shalt  }
0x6a: {  	_ =	shalt  }
0x6b: {  	_ =	shalt  }
0x6c: {  	_ =	shalt  }
0x6d: {  	_ =	shalt  }
0x6e: {  	_ =	shalt  }
0x6f: {  	_ =	shalt  }
0x70: {  	_ =	shalt  }
0x71: {  	_ =	shalt  }
0x72: {  	_ =	shalt  }
0x73: {  	_ =	shalt  }
0x74: {  	_ =	shalt  }
0x75: {  	_ =	shalt  }
0x76: {  	_ =	shalt  }
0x77: {  	_ =	shalt  }
0x78: {  	_ =	shalt  }
0x79: {  	_ =	shalt  }
0x7a: {  	_ =	shalt  }
0x7b: {  	_ =	shalt  }
0x7c: {  	_ =	shalt  }
0x7d: {  	_ =	shalt  }
0x7e: {  	_ =	shalt  }
0x7f: {  	_ =	shalt  }
0x80: {  	_ =	shalt  }
0x81: {  	_ =	shalt  }
0x82: {  	_ =	shalt  }
0x83: {  	_ =	shalt  }
0x84: {  	_ =	shalt  }
0x85: {  	_ =	shalt  }
0x86: {  	_ =	shalt  }
0x87: {  	_ =	shalt  }
.Lfunc_end0:
.L_simem_size_0:
called_computation_lowered:
.L_overlay_start_0:
0x88: {  	s2 =	sld [smem:$0x3FD9]  }
0x89: {  	s3 =	sld [smem:$0x3FFE];
	_ =	sdelay $0x1  }
0x8a: {  	s1 =	srdreg.scid  }
0x8b: {  	s0 =	sand.u32 $0x1, s1  }
0x8c: {  	s17 =	sshll.u32 s0, $0xA;
	s2 =	sadd.s32 s3, s2  }
0x8d: {  	s2 =	sadd.s32 s2, s17  }
0x8e: {  	[smem:$0x3FC6] =	sst s2  }
0x8f: {  	_ = 	snop  }
0x90: {  	s2 =	sld [smem:$0x3FC9]  }
0x91: {  	s18 =	sld [smem:$0x3FC8];
	(tm) =	ssettm $0x1  }
0x92: {  	s4 =	sld [smem:$0x3FFB];
	_ =	sdelay $0x3  }
0x93: {  	_ =	strace s4  }
0x94: {  	s4 =	sld [smem:$0x3FFC];
	_ =	sdelay $0x3  }
0x95: {  	_ =	strace s4  }
0x96: {  	s4 =	sld [smem:$0x3FFD];
	_ =	sdelay $0x3  }
0x97: {  	_ =	strace s4  }
0x98: {  	_ =	strace $0x8FFFFFFF  }
0x99: {  	s19 =	sld [smem:$0x3FDB];
	_ =	sdelay $0x1  }
0x9a: {  	s5 =	simm.s32 $_scs_section_size  }
0x9b: {  	s6 =	simm.s32 $_size__tile_overlayer_lowered;
	s7 =	simm.s32 $_tile_overlayer_lowered  }
0x9c: {  	s22 =	simm.s32 $0x1BFF;
	s21 =	sshll.u32 s7, $0x1;
	s4 =	sadd.s32 s5, s19  }
0x9d: {  	s8 =	simm.s32 $0x0;
	s20 =	sshll.u32 s6, $0x1;
	s6 =	sadd.s32 s21, s4  }
0x9e: {  	[timem:s8], [sflag:s22] =	dma.local [hbm:s6], s20  }
0x9f: {  	_ =	swait.ge [sflag:s22], s20  }
0xa0: {  	s5 =	ssub.s32 $0x0, s20;
	[sflag:s22] =	ssyncset.done $0x0  }
0xa1: {  	[sflag:s22] =	ssyncadd.s32 s5;
	_ =	sdelay $0x1  }
0xa2: {  	s23 =	simm.s32 $0x1B8B  }
0xa3: {  	_ =	swait.ge [sflag:s23], $0x1  }
0xa4: {  	[sflag:s23] =	ssyncset.done $0x0  }
0xa5: {  	s25 =	simm.s32 $0x1B8E;
	s24 =	sld [smem:$0x3FFE];
	[sflag:s23] =	ssyncadd.s32 $0xFFFFFFFF  }
0xa6: {  	s26 =	simm.s32 $execute0_lowered;
	[smem:$0x3FD2] =	sst s25  }
0xa7: {  	s6 =	sshll.u32 s26, $0x1;
	_ =	strace $0x80000046;
	[dreg:$0x1] =	wrdreg $0xFFFFFFFF  }
0xa8: {  	s28 =	simm.s32 $_size_execute0_lowered;
	s4 =	sadd.s32 s4, s6;
	[dreg:$0x0] =	wrdreg $0x0  }
0xa9: {  	s6 =	sshll.u32 s28, $0x1;
	[dreg:$0x2] =	wrdreg s4  }
0xaa: {  	[dreg:$0x3] =	wrdreg s6  }
0xab: {  	[dreg:$0x4] =	wrdreg $0xC0  }
0xac: {  	_ =	task [dreg:s8], $0x5FFFF  }
0xad: {  	[dreg:$0x1] =	wrdreg $0xFFFFFFFF  }
0xae: {  	[dreg:$0x0] =	wrdreg $0x60  }
0xaf: {  	[dreg:$0x2] =	wrdreg s2  }
0xb0: {  	[dreg:$0x3] =	wrdreg s18  }
0xb1: {  	[dreg:$0x4] =	wrdreg s24  }
0xb2: {  	[dreg:$0x5] =	wrdreg $0x11C000  }
0xb3: {  	[dreg:$0x6] =	wrdreg $0x13C000  }
0xb4: {  	[dreg:$0x7] =	wrdreg $0x9  }
0xb5: {  	_ =	task.clear_ibuf [dreg:s8], $0x8FFFF;
	_ =	strace $0x90000046  }
0xb6: {  	s29 =	simm.s32 $0x9;
	_ =	strace $0x80000048  }
0xb7: {  	_ =	swait.ge [sflag:s29], $0x1  }
0xb8: {  	[sflag:s29] =	ssyncadd.s32 $0xFFFFFFFF  }
0xb9: {  	_ =	strace $0x90000048  }
0xba: {  	_ =	sfence  }
0xbb: {  	s30 =	sld [smem:$0x0];
	_ =	sdelay $0x2  }
0xbc: {  	s31 =	sshll.u32 s1, $0xD;
	s1 =	sshrl.u32 s1, $0x2  }
0xbd: {  	s3 =	sand.u32 $0x4000, s31;
	s1 =	sadd.s32 s1, s30  }
0xbe: {  	s0 =	sor.u32 s3, s0;
	s1 =	sshll.u32 s1, $0x11  }
0xbf: {  	s0 =	sor.u32 s1, s0  }
0xc0: {  	s0 =	sadd.s32 $0x8F2B, s0  }
0xc1: {  	[sflag:s0] =	ssyncadd.remote.s32 $0x1  }
0xc2: {  	_ =	sfence.sel $0xFFFF  }
0xc3: {  	[dreg:$0x0] =	wrdreg $0xFFFFFFFF;
	(pc) =	sbr.abs _section_cstart, $3  }
0xc4: {  	[dreg:$0x1] =	wrdreg $0xFFFFFFFF  }
0xc5: {  	_ =	task.clear_ibuf [dreg:s8], $0x2FFFF;
	_ =	strace $0x9FFFFFFF  }
0xc6: {  	(tm) =	ssettm $0x7FFFFFFF  }
0xc7: {  	_ =	shalt  }
tec
execute0_lowered:
.L_overlay_start_1:
0x0: {  	(tag) =	ssettag $0x1  }
0x1: {  	s0 =	rddreg [dreg:$0x0]  }
0x2: {  	s2 =	rddreg [dreg:$0x1]  }
0x3: {  	s4 =	rddreg [dreg:$0x2]  }
0x4: {  	s1 =	rddreg [dreg:$0x3]  }
0x5: {  	s5 =	rddreg [dreg:$0x4]  }
0x6: {  	s3 =	simm.s32 $0x0;
	s16 =	stileid.u32;
	s6 =	srdreg.scid  }
0x7: {  	[smem:$0x7FF] =	sst s3;
	s6 =	sand.u32 $0x1, s6;
	s7 =	sshrl.u32 s16, $0x1  }
0x8: {  	s10 =	sshll.u32 s16, $0x6;
	s12 =	sshll.u32 s16, $0xA;
	s26 =	sshll.u32 s16, $0xD  }
0x9: {  	s31 =	sshll.u32 s16, $0x7;
	s19 =	smul.u32 $0x27100, s16;
	_ =	strace $0x80000047  }
0xa: {  	s8 =	sshll.u32 s7, $0x8;
	s9 =	sshll.u32 s6, $0x7;
	s20 =	sshll.u32 s6, $0x4  }
0xb: {  	[dreg:$0x6] =	wrdreg s10;
	s8 =	sor.u32 s9, s8;
	s9 =	sor.u32 s16, s20  }
0xc: {  	s10 =	sand.u32 $0x40, s10;
	s13 =	sadd.s32 s12, s4;
	s11 =	smul.u32 $0x138800, s9  }
0xd: {  	s21 =	ssub.s32 $0x2, s6;
	s29 =	sshll.u32 s7, $0xA;
	s14 =	smul.u32 $0x2710, s9  }
0xe: {  	s30 =	sand.u32 $0x2000, s12;
	s18 =	sshll.u32 s6, $0xE;
	s9 =	smul.u32 $0x27100, s9  }
0xf: {  	s15 =	sshrl.u32 s21, $0x1;
	s16 =	simm.s32 $0x3;
	s8 =	sor.u32 s10, s8  }
0x10: {  	s11 =	sshrl.u32 s11, $0x3;
	s14 =	sshrl.u32 s14, $0x3;
	s22 =	sadd.s32 s0, s9  }
0x11: {  	s11 =	sadd.s32 s0, s11;
	s2 =	sadd.s32 s2, s14;
	[dreg:$0x8] =	wrdreg s22  }
0x12: {  	s8 =	sshrl.u32 s8, $0x3;
	[dreg:$0x7] =	wrdreg s2;
	s23 =	sadd.s32 $0x500, s11  }
0x13: {  	s9 =	sand.u32 $0x380, s31;
	s24 =	sadd.s32 $0xA00, s11;
	[dreg:$0x9] =	wrdreg s23  }
0x14: {  	s25 =	sadd.s32 $0xF00, s11;
	s28 =	sadd.s32 $0x1400, s11;
	[dreg:$0xa] =	wrdreg s24  }
0x15: {  	s2 =	sadd.s32 s29, s5;
	s5 =	sadd.s32 s30, s5;
	[dreg:$0xb] =	wrdreg s25  }
0x16: {  	s4 =	sadd.s32 s8, s4;
	[dreg:$0xc] =	wrdreg s28;
	s5 =	sadd.s32 s9, s5  }
0x17: {  	s8 =	ssub.s32 s21, s15;
	s23 =	sadd.s32 $0xA00, s4;
	[dreg:$0xd] =	wrdreg s5  }
0x18: {  	s12 =	sadd.s32 s10, s2;
	s25 =	smax.u32 s8, $0x1;
	[dreg:$0x16] =	wrdreg s23  }
0x19: {  	s15 =	smul.u32 $0x271000, s6;
	s7 =	sadd.s32 $0x80, s12;
	[dreg:$0x18] =	wrdreg s25  }
0x1a: {  	s6 =	simm.s32 $0x7800;
	s9 =	sadd.s32 $0x100, s12;
	[dreg:$0xe] =	wrdreg s7  }
0x1b: {  	s11 =	sadd.s32 s26, s1;
	s10 =	sadd.s32 $0x180, s12;
	[dreg:$0xf] =	wrdreg s9  }
0x1c: {  	s0 =	sadd.s32 s15, s0;
	s14 =	sadd.s32 $0x200, s12;
	[dreg:$0x10] =	wrdreg s10  }
0x1d: {  	s15 =	simm.s32 $0x2;
	s17 =	sadd.s32 $0x280, s12;
	[dreg:$0x11] =	wrdreg s14  }
0x1e: {  	s0 =	sadd.s32 s19, s0;
	s20 =	sadd.s32 $0x300, s12;
	[dreg:$0x12] =	wrdreg s17  }
0x1f: {  	s4 =	simm.s32 $0x2800;
	s21 =	sadd.s32 $0x380, s12;
	[dreg:$0x13] =	wrdreg s20  }
0x20: {  	s8 =	simm.s32 $0xC;
	s22 =	sadd.s32 $0x2000, s12;
	[dreg:$0x14] =	wrdreg s21  }
0x21: {  	s19 =	simm.s32 $0x6;
	s0 =	sadd.s32 $0x1900, s0;
	[dreg:$0x15] =	wrdreg s22  }
0x22: {  	s5 =	sadd.s32 s18, s13;
	s26 =	sadd.s32 $0x2080, s12;
	[dreg:$0x19] =	wrdreg s0  }
0x23: {  	s28 =	sadd.s32 $0x2100, s12;
	s29 =	sadd.s32 $0x2180, s12;
	[dreg:$0x1a] =	wrdreg s26  }
0x24: {  	s30 =	sadd.s32 $0x2200, s12;
	s31 =	sadd.s32 $0x2280, s12;
	[dreg:$0x1b] =	wrdreg s28  }
0x25: {  	s2 =	sadd.s32 $0x2380, s12;
	s13 =	simm.s32 $0x50;
	[dreg:$0x1c] =	wrdreg s29  }
0x26: {  	s18 =	simm.s32 $0x5;
	s23 =	simm.s32 $0xA;
	[dreg:$0x1d] =	wrdreg s30  }
.Ltmp0:
0x27: {  	s24 =	sadd.s32 $0xC00, s5;
	[dreg:$0x1e] =	wrdreg s31;
	(pc) =	sbr.rel .LBB2_1-.Ltmp0, $4  }
0x28: {  	s0 =	sadd.s32 $0x2300, s12;
	s5 =	simm.s32 $0x5000;
	s7 =	simm.s32 $0xA000  }
0x29: {  	s9 =	simm.s32 $0xB;
	s10 =	simm.s32 $0x1;
	s14 =	simm.s32 $0xEF80  }
0x2a: {  	s17 =	simm.s32 $0x4;
	s20 =	simm.s32 $0x7;
	s21 =	simm.s32 $0x8  }
0x2b: {  	v0 =	vimm.f32 $0.0e+00;
	v1 =	vimm.f32 $1.000000000e+00;
	s22 =	simm.s32 $0x9;
	[dreg:$0x17] =	wrdreg s24;
	s24 =	simm.s32 $0x0  }
.LBB2_8:
0x2c: {  	_ =	swait.ge [sflag:s20], $0x2800  }
0x2d: {  	[sflag:s20] =	ssyncset.done $0x0  }
0x2e: {  	[sflag:s20] =	ssyncadd.s32 $0xFFFFD800  }
0x2f: {  	_ =	swait.ge [sflag:s21], $0x2800  }
0x30: {  	[sflag:s21] =	ssyncset.done $0x0  }
0x31: {  	[sflag:s21] =	ssyncadd.s32 $0xFFFFD800  }
0x32: {  	_ =	swait.ge [sflag:s22], $0x2800  }
0x33: {  	[sflag:s22] =	ssyncset.done $0x0  }
0x34: {  	[sflag:s22] =	ssyncadd.s32 $0xFFFFD800  }
0x35: {  	_ =	swait.ge [sflag:s23], $0x2800  }
0x36: {  	s26 =	simm.s32 $0x80;
	[sflag:s23] =	ssyncset.done $0x0  }
0x37: {  	s28 =	simm.s32 $0x400;
	s25 =	rddreg [dreg:$0xd];
	[sflag:s23] =	ssyncadd.s32 $0xFFFFD800  }
0x38: {  	[spmem:s25] =	stream.strided.scatter [tilespmem:s14], [sflag:$0xC], $0x400, s28, s26, $0x38;
	[tilespmem:$0x14000] =	vst v63  }
0x39: {  	_ =	swait.ge [sflag:s8], $0x400  }
0x3a: {  	[sflag:s8] =	ssyncset.done $0x0  }
0x3b: {  	[sflag:s8] =	ssyncadd.s32 $0xFFFFFC00  }
0x3c: {  	s29 =	simm.s32 $0x11380;
	[bflag:$0x0] =	sbarrier.arrive $0xFFFF  }
0x3d: {  	[tilespmem:s29], [sflag:$0xC] =	stream.linear.gather [spmem:s12], $0x40, $0x38;
	[tilespmem:$0x14000] =	vst v63  }
0x3e: {  	_ =	swait.ge [sflag:s8], $0x40  }
0x3f: {  	[sflag:s8] =	ssyncset.done $0x0  }
0x40: {  	s31 =	simm.s32 $0x11400;
	s30 =	rddreg [dreg:$0xe];
	[sflag:s8] =	ssyncadd.s32 $0xFFFFFFC0  }
0x41: {  	[tilespmem:s31], [sflag:$0xC] =	stream.linear.gather [spmem:s30], $0x40, $0x38;
	[tilespmem:$0x14000] =	vst v63  }
0x42: {  	_ =	swait.ge [sflag:s8], $0x40  }
0x43: {  	[sflag:s8] =	ssyncset.done $0x0  }
0x44: {  	s29 =	simm.s32 $0x11480;
	s28 =	rddreg [dreg:$0xf];
	[sflag:s8] =	ssyncadd.s32 $0xFFFFFFC0  }
0x45: {  	[tilespmem:s29], [sflag:$0xC] =	stream.linear.gather [spmem:s28], $0x40, $0x38;
	[tilespmem:$0x14000] =	vst v63  }
0x46: {  	_ =	swait.ge [sflag:s8], $0x40  }
0x47: {  	[sflag:s8] =	ssyncset.done $0x0  }
0x48: {  	s31 =	simm.s32 $0x11500;
	s30 =	rddreg [dreg:$0x10];
	[sflag:s8] =	ssyncadd.s32 $0xFFFFFFC0  }
0x49: {  	[tilespmem:s31], [sflag:$0xC] =	stream.linear.gather [spmem:s30], $0x40, $0x38;
	[tilespmem:$0x14000] =	vst v63  }
0x4a: {  	_ =	swait.ge [sflag:s8], $0x40  }
0x4b: {  	[sflag:s8] =	ssyncset.done $0x0  }
0x4c: {  	s29 =	simm.s32 $0x11580;
	s28 =	rddreg [dreg:$0x11];
	[sflag:s8] =	ssyncadd.s32 $0xFFFFFFC0  }
0x4d: {  	[tilespmem:s29], [sflag:$0xC] =	stream.linear.gather [spmem:s28], $0x40, $0x38;
	[tilespmem:$0x14000] =	vst v63  }
0x4e: {  	_ =	swait.ge [sflag:s8], $0x40  }
0x4f: {  	[sflag:s8] =	ssyncset.done $0x0  }
0x50: {  	s31 =	simm.s32 $0x11600;
	s30 =	rddreg [dreg:$0x12];
	[sflag:s8] =	ssyncadd.s32 $0xFFFFFFC0  }
0x51: {  	[tilespmem:s31], [sflag:$0xC] =	stream.linear.gather [spmem:s30], $0x40, $0x38;
	[tilespmem:$0x14000] =	vst v63  }
0x52: {  	_ =	swait.ge [sflag:s8], $0x40  }
0x53: {  	[sflag:s8] =	ssyncset.done $0x0  }
0x54: {  	s29 =	simm.s32 $0x11680;
	s28 =	rddreg [dreg:$0x13];
	[sflag:s8] =	ssyncadd.s32 $0xFFFFFFC0  }
0x55: {  	[tilespmem:s29], [sflag:$0xC] =	stream.linear.gather [spmem:s28], $0x40, $0x38;
	[tilespmem:$0x14000] =	vst v63  }
0x56: {  	_ =	swait.ge [sflag:s8], $0x40  }
0x57: {  	[sflag:s8] =	ssyncset.done $0x0  }
0x58: {  	s31 =	simm.s32 $0x11700;
	s30 =	rddreg [dreg:$0x14];
	[sflag:s8] =	ssyncadd.s32 $0xFFFFFFC0  }
0x59: {  	[tilespmem:s31], [sflag:$0xC] =	stream.linear.gather [spmem:s30], $0x40, $0x38;
	[tilespmem:$0x14000] =	vst v63  }
0x5a: {  	_ =	swait.ge [sflag:s8], $0x40  }
0x5b: {  	[sflag:s8] =	ssyncset.done $0x0  }
0x5c: {  	s29 =	simm.s32 $0x11780;
	s28 =	rddreg [dreg:$0x15];
	[sflag:s8] =	ssyncadd.s32 $0xFFFFFFC0  }
0x5d: {  	[tilespmem:s29], [sflag:$0xC] =	stream.linear.gather [spmem:s28], $0x40, $0x38;
	[tilespmem:$0x14000] =	vst v63  }
0x5e: {  	_ =	swait.ge [sflag:s8], $0x40  }
0x5f: {  	[sflag:s8] =	ssyncset.done $0x0  }
0x60: {  	s31 =	simm.s32 $0x11800;
	s30 =	rddreg [dreg:$0x1a];
	[sflag:s8] =	ssyncadd.s32 $0xFFFFFFC0  }
0x61: {  	[tilespmem:s31], [sflag:$0xC] =	stream.linear.gather [spmem:s30], $0x40, $0x38;
	[tilespmem:$0x14000] =	vst v63  }
0x62: {  	_ =	swait.ge [sflag:s8], $0x40  }
0x63: {  	[sflag:s8] =	ssyncset.done $0x0  }
0x64: {  	s29 =	simm.s32 $0x11880;
	s28 =	rddreg [dreg:$0x1b];
	[sflag:s8] =	ssyncadd.s32 $0xFFFFFFC0  }
0x65: {  	[tilespmem:s29], [sflag:$0xC] =	stream.linear.gather [spmem:s28], $0x40, $0x38;
	[tilespmem:$0x14000] =	vst v63  }
0x66: {  	_ =	swait.ge [sflag:s8], $0x40  }
0x67: {  	[sflag:s8] =	ssyncset.done $0x0  }
0x68: {  	s31 =	simm.s32 $0x11900;
	s30 =	rddreg [dreg:$0x1c];
	[sflag:s8] =	ssyncadd.s32 $0xFFFFFFC0  }
0x69: {  	[tilespmem:s31], [sflag:$0xC] =	stream.linear.gather [spmem:s30], $0x40, $0x38;
	[tilespmem:$0x14000] =	vst v63  }
0x6a: {  	_ =	swait.ge [sflag:s8], $0x40  }
0x6b: {  	[sflag:s8] =	ssyncset.done $0x0  }
0x6c: {  	s29 =	simm.s32 $0x11980;
	s28 =	rddreg [dreg:$0x1d];
	[sflag:s8] =	ssyncadd.s32 $0xFFFFFFC0  }
0x6d: {  	[tilespmem:s29], [sflag:$0xC] =	stream.linear.gather [spmem:s28], $0x40, $0x38;
	[tilespmem:$0x14000] =	vst v63  }
0x6e: {  	_ =	swait.ge [sflag:s8], $0x40  }
0x6f: {  	[sflag:s8] =	ssyncset.done $0x0  }
0x70: {  	s31 =	simm.s32 $0x11A00;
	s30 =	rddreg [dreg:$0x1e];
	[sflag:s8] =	ssyncadd.s32 $0xFFFFFFC0  }
0x71: {  	[tilespmem:s31], [sflag:$0xC] =	stream.linear.gather [spmem:s30], $0x40, $0x38;
	[tilespmem:$0x14000] =	vst v63  }
0x72: {  	_ =	swait.ge [sflag:s8], $0x40  }
0x73: {  	[sflag:s8] =	ssyncset.done $0x0  }
0x74: {  	s28 =	simm.s32 $0x11A80;
	[sflag:s8] =	ssyncadd.s32 $0xFFFFFFC0  }
0x75: {  	[tilespmem:s28], [sflag:$0xC] =	stream.linear.gather [spmem:s0], $0x40, $0x38;
	[tilespmem:$0x14000] =	vst v63  }
0x76: {  	_ =	swait.ge [sflag:s8], $0x40  }
0x77: {  	[sflag:s8] =	ssyncset.done $0x0  }
0x78: {  	s29 =	simm.s32 $0x11B00;
	[sflag:s8] =	ssyncadd.s32 $0xFFFFFFC0  }
0x79: {  	[tilespmem:s29], [sflag:$0xC] =	stream.linear.gather [spmem:s2], $0x40, $0x38;
	[tilespmem:$0x14000] =	vst v63  }
0x7a: {  	_ =	swait.ge [sflag:s8], $0x40  }
0x7b: {  	[sflag:s8] =	ssyncset.done $0x0  }
0x7c: {  	[sflag:s8] =	ssyncadd.s32 $0xFFFFFFC0  }
0x7d: {  	v2 =	vld [tilespmem:$0x11380]  }
0x7e: {  	v3 =	vld [tilespmem:$0x11400]  }
0x7f: {  	v4 =	vld [tilespmem:$0x11480]  }
0x80: {  	v5 =	vld [tilespmem:$0x11500]  }
0x81: {  	v6 =	vld [tilespmem:$0x11580]  }
0x82: {  	v7 =	vld [tilespmem:$0x11600]  }
0x83: {  	v8 =	vld [tilespmem:$0x11680]  }
0x84: {  	v9 =	vld [tilespmem:$0x11700]  }
0x85: {  	v10 =	vld [tilespmem:$0x11780]  }
0x86: {  	v11 =	vld [tilespmem:$0x11800]  }
0x87: {  	v12 =	vld [tilespmem:$0x11880]  }
0x88: {  	v13 =	vld [tilespmem:$0x11900]  }
0x89: {  	v14 =	vld [tilespmem:$0x11980]  }
0x8a: {  	v15 =	vld [tilespmem:$0x11A00]  }
0x8b: {  	v16 =	vld [tilespmem:$0x11A80]  }
0x8c: {  	v17 =	vld [tilespmem:$0x11B00]  }
0x8d: {  	v18 =	vld [tilespmem:$0x11390]  }
0x8e: {  	v19 =	vld [tilespmem:$0x11410]  }
0x8f: {  	v20 =	vld [tilespmem:$0x11490]  }
0x90: {  	v21 =	vld [tilespmem:$0x11510]  }
0x91: {  	v22 =	vld [tilespmem:$0x11590]  }
0x92: {  	v23 =	vld [tilespmem:$0x11610]  }
0x93: {  	v24 =	vld [tilespmem:$0x11690]  }
0x94: {  	v25 =	vld [tilespmem:$0x11710]  }
0x95: {  	v26 =	vld [tilespmem:$0x11790]  }
0x96: {  	v27 =	vld [tilespmem:$0x11810]  }
0x97: {  	v28 =	vld [tilespmem:$0x11890]  }
0x98: {  	v29 =	vld [tilespmem:$0x11910]  }
0x99: {  	v30 =	vld [tilespmem:$0x11990]  }
0x9a: {  	v31 =	vld [tilespmem:$0x11A10]  }
0x9b: {  	v32 =	vld [tilespmem:$0x11A90]  }
0x9c: {  	v33 =	vld [tilespmem:$0x11B10]  }
0x9d: {  	v34 =	vld [tilespmem:$0x113A0]  }
0x9e: {  	v35 =	vld [tilespmem:$0x113B0]  }
0x9f: {  	v36 =	vld [tilespmem:$0x11420]  }
0xa0: {  	v37 =	vld [tilespmem:$0x11430];
	v2 =	vadd.f32 $0.0e+00, v2  }
0xa1: {  	v38 =	vld [tilespmem:$0x114A0];
	v18 =	vadd.f32 $0.0e+00, v18  }
0xa2: {  	v61 =	vld [tilespmem:$0x114B0];
	v2 =	vadd.f32 v3, v2;
	v3 =	vadd.f32 $0.0e+00, v34  }
0xa3: {  	v62 =	vld [tilespmem:$0x11520];
	v35 =	vadd.f32 $0.0e+00, v35;
	v18 =	vadd.f32 v19, v18  }
0xa4: {  	v63 =	vld [tilespmem:$0x11530];
	v2 =	vadd.f32 v4, v2;
	v3 =	vadd.f32 v36, v3  }
0xa5: {  	v18 =	vadd.f32 v20, v18;
	v36 =	vadd.f32 v37, v35;
	v37 =	vld [tilespmem:$0x115A0]  }
0xa6: {  	v39 =	vld [tilespmem:$0x115B0];
	v2 =	vadd.f32 v5, v2;
	v3 =	vadd.f32 v38, v3  }
0xa7: {  	v40 =	vld [tilespmem:$0x11620];
	v18 =	vadd.f32 v21, v18;
	v20 =	vadd.f32 v61, v36  }
0xa8: {  	v41 =	vld [tilespmem:$0x11630];
	v2 =	vadd.f32 v6, v2;
	v3 =	vadd.f32 v62, v3  }
0xa9: {  	v42 =	vld [tilespmem:$0x116A0];
	v18 =	vadd.f32 v22, v18;
	v4 =	vadd.f32 v63, v20  }
0xaa: {  	v43 =	vld [tilespmem:$0x116B0];
	v2 =	vadd.f32 v7, v2;
	v3 =	vadd.f32 v37, v3  }
0xab: {  	v44 =	vld [tilespmem:$0x11720];
	v18 =	vadd.f32 v23, v18;
	v4 =	vadd.f32 v39, v4  }
0xac: {  	v45 =	vld [tilespmem:$0x11730];
	v2 =	vadd.f32 v8, v2;
	v3 =	vadd.f32 v40, v3  }
0xad: {  	v46 =	vld [tilespmem:$0x117A0];
	v18 =	vadd.f32 v24, v18;
	v4 =	vadd.f32 v41, v4  }
0xae: {  	v47 =	vld [tilespmem:$0x117B0];
	v2 =	vadd.f32 v9, v2;
	v3 =	vadd.f32 v42, v3  }
0xaf: {  	v48 =	vld [tilespmem:$0x11820];
	v18 =	vadd.f32 v25, v18;
	v4 =	vadd.f32 v43, v4  }
0xb0: {  	v49 =	vld [tilespmem:$0x11830];
	v2 =	vadd.f32 v10, v2;
	v3 =	vadd.f32 v44, v3  }
0xb1: {  	v51 =	vld [tilespmem:$0x118A0];
	v50 =	vadd.f32 v26, v18;
	v4 =	vadd.f32 v45, v4  }
0xb2: {  	v52 =	vld [tilespmem:$0x118B0];
	v2 =	vadd.f32 v11, v2;
	v3 =	vadd.f32 v46, v3  }
0xb3: {  	v53 =	vld [tilespmem:$0x11920];
	v10 =	vadd.f32 v27, v50;
	v4 =	vadd.f32 v47, v4  }
0xb4: {  	v54 =	vld [tilespmem:$0x11930];
	v2 =	vadd.f32 v12, v2;
	v3 =	vadd.f32 v48, v3  }
0xb5: {  	v55 =	vld [tilespmem:$0x119A0];
	v10 =	vadd.f32 v28, v10;
	v4 =	vadd.f32 v49, v4  }
0xb6: {  	v56 =	vld [tilespmem:$0x119B0];
	v2 =	vadd.f32 v13, v2;
	v3 =	vadd.f32 v51, v3  }
0xb7: {  	v57 =	vld [tilespmem:$0x11A20];
	v10 =	vadd.f32 v29, v10;
	v4 =	vadd.f32 v52, v4  }
0xb8: {  	v58 =	vld [tilespmem:$0x11A30];
	v2 =	vadd.f32 v14, v2;
	v3 =	vadd.f32 v53, v3  }
0xb9: {  	v59 =	vld [tilespmem:$0x11AA0];
	v10 =	vadd.f32 v30, v10;
	v4 =	vadd.f32 v54, v4  }
0xba: {  	v60 =	vld [tilespmem:$0x11AB0];
	v2 =	vadd.f32 v15, v2;
	v3 =	vadd.f32 v55, v3  }
0xbb: {  	v61 =	vld [tilespmem:$0x11B20];
	v10 =	vadd.f32 v31, v10;
	v4 =	vadd.f32 v56, v4  }
0xbc: {  	v62 =	vld [tilespmem:$0x11B30];
	v2 =	vadd.f32 v16, v2;
	v3 =	vadd.f32 v57, v3  }
0xbd: {  	v10 =	vadd.f32 v32, v10;
	v4 =	vadd.f32 v58, v4  }
0xbe: {  	v2 =	vadd.f32 v17, v2;
	v3 =	vadd.f32 v59, v3  }
0xbf: {  	v63 =	vadd.f32 v33, v10;
	v4 =	vadd.f32 v60, v4  }
0xc0: {  	[tilespmem:$0x11B80] =	vst v2;
	v2 =	vadd.f32 v61, v3  }
0xc1: {  	[tilespmem:$0x11B90] =	vst v63;
	v3 =	vadd.f32 v62, v4  }
0xc2: {  	[tilespmem:$0x11BA0] =	vst v2  }
0xc3: {  	s31 =	simm.s32 $0x11B80;
	s30 =	rddreg [dreg:$0x16];
	[tilespmem:$0x11BB0] =	vst v3  }
0xc4: {  	[hbm4b:s30+s3] =	stream.linear.scatter [tilespmem:s31], [sflag:$0xC], $0x40, $0x38;
	[tilespmem:$0x14000] =	vst v63  }
0xc5: {  	_ =	swait.ge [sflag:s8], $0x40  }
0xc6: {  	s29 =	sshrl.u32 s11, $0x3;
	[sflag:s8] =	ssyncset.done $0x0;
	s28 =	rddreg [dreg:$0x6]  }
0xc7: {  	s30 =	rddreg [dreg:$0x17];
	[sflag:s8] =	ssyncadd.s32 $0xFFFFFFC0;
	s25 =	sor.u32 $0x1C0C, s28  }
0xc8: {  	[hbm:s30], [sflag:s25] =	dma.local [spmem:s29], $0x400  }
0xc9: {  	_ =	swait.ge [sflag:s8], $0x400  }
0xca: {  	s24 =	sadd.s32 $0x1, s24;
	s31 =	rddreg [dreg:$0x18]  }
0xcb: {  	p0 =	sne.s32 s24, s31  }
.Ltmp1:
0xcc: {  	_ = 	snop;
	(pc) =	sbr.rel @!p0 .LBB2_9-.Ltmp1, $3  }
0xcd: {  	_ =	sdelay $0x1  }
0xce: {  	[sflag:s8] =	ssyncset.done $0x0  }
0xcf: {  	[sflag:s8] =	ssyncadd.s32 $0xFFFFFC00  }
.LBB2_1:
0xd0: {  	s25 =	rddreg [dreg:$0x7];
	s26 =	simm.s32 $0xC800  }
0xd1: {  	[tilespmem:s26], [sflag:$0xB] =	stream.linear.gather [hbm4b:s25+s3], $0x2710, $0x38;
	[tilespmem:$0x14000] =	vst v63  }
0xd2: {  	s26 =	rddreg [dreg:$0x8]  }
0xd3: {  	[tilespmem:s3], [sflag:$0x1] =	stream.linear.gather [hbm4b:s26+s3], $0x2800, $0x38;
	[tilespmem:$0x14000] =	vst v63  }
0xd4: {  	s28 =	rddreg [dreg:$0x9]  }
0xd5: {  	[tilespmem:s4], [sflag:$0x2] =	stream.linear.gather [hbm4b:s28+s3], $0x2800, $0x38;
	[tilespmem:$0x14000] =	vst v63  }
0xd6: {  	s29 =	rddreg [dreg:$0xa]  }
0xd7: {  	[tilespmem:s5], [sflag:$0x3] =	stream.linear.gather [hbm4b:s29+s3], $0x2800, $0x38;
	[tilespmem:$0x14000] =	vst v63  }
0xd8: {  	s30 =	rddreg [dreg:$0xb]  }
0xd9: {  	[tilespmem:s6], [sflag:$0x4] =	stream.linear.gather [hbm4b:s30+s3], $0x2800, $0x38;
	[tilespmem:$0x14000] =	vst v63  }
0xda: {  	s31 =	rddreg [dreg:$0xc];
	s25 =	simm.s32 $0x0;
	s26 =	simm.s32 $0x200  }
0xdb: {  	[tilespmem:s7], [sflag:$0x5] =	stream.linear.gather [hbm4b:s31+s3], $0x2800, $0x38;
	[tilespmem:$0x14000] =	vst v63  }
.LBB2_2:
0xdc: {  	p0 =	sne.s32 s26, $0x7E00;
	[tilespmem:s25+$0xF3F0] =	vst v0  }
0xdd: {  	[tilespmem:s25+$0xF380] =	vst v0  }
0xde: {  	[tilespmem:s25+$0xF390] =	vst v0  }
.Ltmp2:
0xdf: {  	[tilespmem:s25+$0xF3A0] =	vst v0;
	(pc) =	sbr.rel @p0 .LBB2_2-.Ltmp2, $4  }
0xe0: {  	[tilespmem:s25+$0xF3B0] =	vst v0  }
0xe1: {  	[tilespmem:s25+$0xF3C0] =	vst v0  }
0xe2: {  	[tilespmem:s25+$0xF3D0] =	vst v0  }
0xe3: {  	[tilespmem:s25+$0xF3E0] =	vst v0;
	s25 =	sshra.s32 s26, $0x2;
	s26 =	sadd.s32 $0x200, s26  }
0xe4: {  	[tilespmem:s25+$0xF3F0] =	vst v0  }
0xe5: {  	[tilespmem:s25+$0xF380] =	vst v0  }
0xe6: {  	[tilespmem:s25+$0xF390] =	vst v0  }
0xe7: {  	[tilespmem:s25+$0xF3A0] =	vst v0  }
0xe8: {  	[tilespmem:s25+$0xF3B0] =	vst v0  }
0xe9: {  	[tilespmem:s25+$0xF3C0] =	vst v0  }
0xea: {  	[tilespmem:s25+$0xF3D0] =	vst v0  }
0xeb: {  	[tilespmem:s25+$0xF3E0] =	vst v0;
	s25 =	simm.s32 $0x40;
	s26 =	simm.s32 $0x0  }
.LBB2_4:
0xec: {  	p0 =	sne.s32 s25, $0xFC0;
	[tilespmem:s26+$0xEF80] =	vst v0;
	s26 =	smov.u32 s25;
	s25 =	sadd.s32 $0x40, s25  }
.Ltmp3:
0xed: {  	(pc) =	sbr.rel @p0 .LBB2_4-.Ltmp3, $2  }
0xee: {  	_ =	sdelay $0x2  }
0xef: {  	s26 =	sshra.s32 s26, $0x2  }
0xf0: {  	[tilespmem:s26+$0xEF80] =	vst v0;
	s25 =	simm.s32 $0xF380  }
0xf1: {  	[spmem:s11] =	stream.linear.scatter [tilespmem:s25], [sflag:$0xC], $0x2000, $0x38;
	[tilespmem:$0x14000] =	vst v63  }
0xf2: {  	_ =	swait.ge [sflag:s8], $0x2000  }
0xf3: {  	[sflag:s8] =	ssyncset.done $0x0  }
0xf4: {  	[sflag:s8] =	ssyncadd.s32 $0xFFFFE000  }
0xf5: {  	[bflag:$0x0] =	sbarrier.arrive $0xFFFF  }
0xf6: {  	_ =	swait.ge [sflag:s9], $0x2710  }
0xf7: {  	s26 =	simm.s32 $0x0;
	[sflag:s9] =	ssyncset.done $0x0  }
0xf8: {  	s29 =	simm.s32 $0x0;
	s25 =	rddreg [dreg:$0x19];
	[sflag:s9] =	ssyncadd.s32 $0xFFFFD8F0  }
.LBB2_6:
0xf9: {  	_ =	swait.ge [sflag:s10], $0x2800  }
0xfa: {  	s30 =	sshra.s32 s29, $0x2;
	[sflag:s10] =	ssyncset.done $0x0  }
0xfb: {  	s28 =	sadd.s32 $0xC800, s30;
	[sflag:s10] =	ssyncadd.s32 $0xFFFFD800  }
0xfc: {  	[spmem:s1] =	stream.indirect.scatter.add.f32 [tilespmem:s3], [sflag:$0x6], $0x80, s28, s13, $0xb8;
	[tilespmem:$0x14000] =	vst v63  }
0xfd: {  	v2 =	vld [tilespmem:s30+$0xC800];
	_ =	sdelay $0x7  }
0xfe: {  	[tilespmem:v2+s14+$0x0] =	vst.idx.add.f32.msk $0xffff, v1  }
0xff: {  	v2 =	vld [tilespmem:s30+$0xC810];
	_ =	sdelay $0x7  }
0x100: {  	[tilespmem:v2+s14+$0x0] =	vst.idx.add.f32.msk $0xffff, v1  }
0x101: {  	v2 =	vld [tilespmem:s30+$0xC820];
	_ =	sdelay $0x7  }
0x102: {  	[tilespmem:v2+s14+$0x0] =	vst.idx.add.f32.msk $0xffff, v1  }
0x103: {  	v2 =	vld [tilespmem:s30+$0xC830];
	_ =	sdelay $0x7  }
0x104: {  	[tilespmem:v2+s14+$0x0] =	vst.idx.add.f32.msk $0xffff, v1  }
0x105: {  	v2 =	vld [tilespmem:s30+$0xC840];
	_ =	sdelay $0x7  }
0x106: {  	[tilespmem:v2+s14+$0x0] =	vst.idx.add.f32.msk $0xffff, v1  }
0x107: {  	_ =	swait.ge [sflag:s15], $0x2800  }
0x108: {  	[sflag:s15] =	ssyncset.done $0x0  }
0x109: {  	s31 =	sadd.s32 $0xC850, s30;
	[sflag:s15] =	ssyncadd.s32 $0xFFFFD800  }
0x10a: {  	[spmem:s1] =	stream.indirect.scatter.add.f32 [tilespmem:s4], [sflag:$0x7], $0x80, s31, s13, $0xb8;
	[tilespmem:$0x14000] =	vst v63  }
0x10b: {  	v2 =	vld [tilespmem:s30+$0xC850];
	_ =	sdelay $0x7  }
0x10c: {  	[tilespmem:v2+s14+$0x0] =	vst.idx.add.f32.msk $0xffff, v1  }
0x10d: {  	v2 =	vld [tilespmem:s30+$0xC860];
	_ =	sdelay $0x7  }
0x10e: {  	[tilespmem:v2+s14+$0x0] =	vst.idx.add.f32.msk $0xffff, v1  }
0x10f: {  	v2 =	vld [tilespmem:s30+$0xC870];
	_ =	sdelay $0x7  }
0x110: {  	s28 =	sand.u32 $0x3FF0, s26;
	[tilespmem:v2+s14+$0x0] =	vst.idx.add.f32.msk $0xffff, v1  }
0x111: {  	v2 =	vld [tilespmem:s28+$0xC880];
	_ =	sdelay $0x7  }
0x112: {  	[tilespmem:v2+s14+$0x0] =	vst.idx.add.f32.msk $0xffff, v1  }
0x113: {  	v2 =	vld [tilespmem:s30+$0xC890];
	_ =	sdelay $0x7  }
0x114: {  	[tilespmem:v2+s14+$0x0] =	vst.idx.add.f32.msk $0xffff, v1  }
0x115: {  	_ =	swait.ge [sflag:s16], $0x2800  }
0x116: {  	[sflag:s16] =	ssyncset.done $0x0  }
0x117: {  	s31 =	sadd.s32 $0xC8A0, s30;
	[sflag:s16] =	ssyncadd.s32 $0xFFFFD800  }
0x118: {  	[spmem:s1] =	stream.indirect.scatter.add.f32 [tilespmem:s5], [sflag:$0x8], $0x80, s31, s13, $0xb8;
	[tilespmem:$0x14000] =	vst v63  }
0x119: {  	v2 =	vld [tilespmem:s30+$0xC8A0];
	_ =	sdelay $0x7  }
0x11a: {  	[tilespmem:v2+s14+$0x0] =	vst.idx.add.f32.msk $0xffff, v1  }
0x11b: {  	v2 =	vld [tilespmem:s30+$0xC8B0];
	_ =	sdelay $0x7  }
0x11c: {  	[tilespmem:v2+s14+$0x0] =	vst.idx.add.f32.msk $0xffff, v1  }
0x11d: {  	v2 =	vld [tilespmem:s30+$0xC8C0];
	_ =	sdelay $0x7  }
0x11e: {  	[tilespmem:v2+s14+$0x0] =	vst.idx.add.f32.msk $0xffff, v1  }
0x11f: {  	v2 =	vld [tilespmem:s30+$0xC8D0];
	_ =	sdelay $0x7  }
0x120: {  	[tilespmem:v2+s14+$0x0] =	vst.idx.add.f32.msk $0xffff, v1  }
0x121: {  	v2 =	vld [tilespmem:s30+$0xC8E0];
	_ =	sdelay $0x7  }
0x122: {  	[tilespmem:v2+s14+$0x0] =	vst.idx.add.f32.msk $0xffff, v1  }
0x123: {  	_ =	swait.ge [sflag:s17], $0x2800  }
0x124: {  	[sflag:s17] =	ssyncset.done $0x0  }
0x125: {  	s31 =	sadd.s32 $0xC8F0, s30;
	[sflag:s17] =	ssyncadd.s32 $0xFFFFD800  }
0x126: {  	[spmem:s1] =	stream.indirect.scatter.add.f32 [tilespmem:s6], [sflag:$0x9], $0x80, s31, s13, $0xb8;
	[tilespmem:$0x14000] =	vst v63  }
0x127: {  	v2 =	vld [tilespmem:s30+$0xC8F0];
	_ =	sdelay $0x7  }
0x128: {  	[tilespmem:v2+s14+$0x0] =	vst.idx.add.f32.msk $0xffff, v1  }
0x129: {  	v2 =	vld [tilespmem:s28+$0xC900];
	_ =	sdelay $0x7  }
0x12a: {  	[tilespmem:v2+s14+$0x0] =	vst.idx.add.f32.msk $0xffff, v1  }
0x12b: {  	v2 =	vld [tilespmem:s30+$0xC910];
	_ =	sdelay $0x7  }
0x12c: {  	[tilespmem:v2+s14+$0x0] =	vst.idx.add.f32.msk $0xffff, v1  }
0x12d: {  	v2 =	vld [tilespmem:s30+$0xC920];
	_ =	sdelay $0x7  }
0x12e: {  	[tilespmem:v2+s14+$0x0] =	vst.idx.add.f32.msk $0xffff, v1  }
0x12f: {  	v2 =	vld [tilespmem:s30+$0xC930];
	_ =	sdelay $0x7  }
0x130: {  	[tilespmem:v2+s14+$0x0] =	vst.idx.add.f32.msk $0xffff, v1  }
0x131: {  	_ =	swait.ge [sflag:s18], $0x2800  }
0x132: {  	[sflag:s18] =	ssyncset.done $0x0  }
0x133: {  	s31 =	sadd.s32 $0xC940, s30;
	[sflag:s18] =	ssyncadd.s32 $0xFFFFD800  }
0x134: {  	[spmem:s1] =	stream.indirect.scatter.add.f32 [tilespmem:s7], [sflag:$0xA], $0x80, s31, s13, $0xb8;
	[tilespmem:$0x14000] =	vst v63  }
0x135: {  	v2 =	vld [tilespmem:s30+$0xC940];
	_ =	sdelay $0x7  }
0x136: {  	[tilespmem:v2+s14+$0x0] =	vst.idx.add.f32.msk $0xffff, v1  }
0x137: {  	v2 =	vld [tilespmem:s30+$0xC950];
	_ =	sdelay $0x7  }
0x138: {  	[tilespmem:v2+s14+$0x0] =	vst.idx.add.f32.msk $0xffff, v1  }
0x139: {  	v2 =	vld [tilespmem:s30+$0xC960];
	_ =	sdelay $0x7  }
0x13a: {  	[tilespmem:v2+s14+$0x0] =	vst.idx.add.f32.msk $0xffff, v1  }
0x13b: {  	v2 =	vld [tilespmem:s30+$0xC970];
	_ =	sdelay $0x7  }
0x13c: {  	[tilespmem:v2+s14+$0x0] =	vst.idx.add.f32.msk $0xffff, v1  }
0x13d: {  	v2 =	vld [tilespmem:s28+$0xC980];
	_ =	sdelay $0x5  }
0x13e: {  	p0 =	seq.s32 s29, $0x9600  }
.Ltmp4:
0x13f: {  	_ = 	snop;
	(pc) =	sbr.rel @p0 .LBB2_8-.Ltmp4, $4  }
0x140: {  	[tilespmem:v2+s14+$0x0] =	vst.idx.add.f32.msk $0xffff, v1  }
0x141: {  	_ =	swait.ge [sflag:s19], $0x2800  }
0x142: {  	[sflag:s19] =	ssyncset.done $0x0  }
0x143: {  	[sflag:s19] =	ssyncadd.s32 $0xFFFFD800  }
0x144: {  	[tilespmem:s3], [sflag:$0x1] =	stream.linear.gather [hbm4b:s25+s3], $0x2800, $0x38;
	[tilespmem:$0x14000] =	vst v63  }
0x145: {  	_ =	swait.ge [sflag:s20], $0x2800  }
0x146: {  	[sflag:s20] =	ssyncset.done $0x0  }
0x147: {  	s28 =	sadd.s32 $0x500, s25;
	[sflag:s20] =	ssyncadd.s32 $0xFFFFD800  }
0x148: {  	[tilespmem:s4], [sflag:$0x2] =	stream.linear.gather [hbm4b:s28+s3], $0x2800, $0x38;
	[tilespmem:$0x14000] =	vst v63  }
0x149: {  	_ =	swait.ge [sflag:s21], $0x2800  }
0x14a: {  	[sflag:s21] =	ssyncset.done $0x0  }
0x14b: {  	s31 =	sadd.s32 $0xA00, s25;
	[sflag:s21] =	ssyncadd.s32 $0xFFFFD800  }
0x14c: {  	[tilespmem:s5], [sflag:$0x3] =	stream.linear.gather [hbm4b:s31+s3], $0x2800, $0x38;
	[tilespmem:$0x14000] =	vst v63  }
0x14d: {  	_ =	swait.ge [sflag:s22], $0x2800  }
0x14e: {  	[sflag:s22] =	ssyncset.done $0x0  }
0x14f: {  	s30 =	sadd.s32 $0xF00, s25;
	[sflag:s22] =	ssyncadd.s32 $0xFFFFD800  }
0x150: {  	[tilespmem:s6], [sflag:$0x4] =	stream.linear.gather [hbm4b:s30+s3], $0x2800, $0x38;
	[tilespmem:$0x14000] =	vst v63  }
.Ltmp5:
0x151: {  	_ = 	snop;
	(pc) =	sbr.rel .LBB2_6-.Ltmp5, $4  }
0x152: {  	_ =	swait.ge [sflag:s23], $0x2800  }
0x153: {  	s29 =	sadd.s32 $0x640, s29;
	s26 =	sadd.s32 $0x190, s26;
	[sflag:s23] =	ssyncset.done $0x0  }
0x154: {  	s31 =	sadd.s32 $0x1400, s25;
	s25 =	sadd.s32 $0x1900, s25;
	[sflag:s23] =	ssyncadd.s32 $0xFFFFD800  }
0x155: {  	[tilespmem:s7], [sflag:$0x5] =	stream.linear.gather [hbm4b:s31+s3], $0x2800, $0x38;
	[tilespmem:$0x14000] =	vst v63  }
.LBB2_9:
0x156: {  	_ =	sfence.sel $0x180000  }
0x157: {  	[bflag:$0x0] =	sbarrier.arrive $0xFFFF  }
0x158: {  	_ =	strace $0x90000047  }
0x159: {  	s0 =	stileid.u32;
	[bflag:$0x2] =	sbarrier.arrive $0xFFFF  }
0x15a: {  	p0 =	sne.s32 s0, $0x0;
	s0 =	rddreg [dreg:$0x5]  }
0x15b: {  	s0 =	sadd.s32 @!p0 $0x100000, s0  }
0x15c: {  	[sflag:s0] =	ssyncadd.tile.s32 @!p0 $0x1;
	_ =	shalt  }
.Lfunc_end2:
_tile_overlayer_lowered:
.L_overlay_start_2:
0x15d: {  	(tag) =	ssettag $0x2  }
0x15e: {  	s0 =	rddreg [dreg:$0x0];
	s2 =	stileid.u32  }
0x15f: {  	s1 =	rddreg [dreg:$0x1];
	p0 =	sne.s32 s2, $0x0  }
0x160: {  	s3 =	rddreg [dreg:$0x2];
	[bflag:$0x3] =	sbarrier.arrive $0xFFFF;
	s2 =	simm.s32 @!p0 $0x1C0C  }
0x161: {  	[timem:s3], [sflag:s2] =	dma.local @!p0 [hbm:s0], s1  }
0x162: {  	s0 =	simm.s32 @!p0 $0xC  }
0x163: {  	_ =	swait.ge @!p0 [sflag:s0], s1  }
0x164: {  	s1 =	ssub.s32 @!p0 $0x0, s1;
	[sflag:s0] =	ssyncset.done @!p0 $0x0  }
0x165: {  	[sflag:s0] =	ssyncadd.s32 @!p0 s1  }
0x166: {  	[bflag:$0x3] =	sbarrier.arrive $0xFFFF  }
0x167: {  	_ =	shalt  }

</sc_bundles>
